<compile_context>
chip_gen: v7x
topology: tpu7x:2x2x1
jax: 0.10.2.dev20260603
libtpu: 0.0.44.dev20260713+nightly
codegen_flags: <defaults>
</compile_context>

<pallas_src>
import functools

import jax
import jax.numpy as jnp
from jax import lax
from jax.experimental import pallas as pl
from jax.experimental.pallas import tpu as pltpu
from jax.experimental.pallas import tpu_sc as plsc


def _make_adjcol_sc(B, N):
    info = plsc.get_sparse_core_info()
    NC, NS, L = info.num_cores, info.num_subcores, info.num_lanes
    NW = NC * NS
    total = B * N
    per_w = total // NW
    chunks = per_w // L
    wper = max(N // per_w, 1)
    mesh = plsc.VectorSubcoreMesh(core_axis_name="c", subcore_axis_name="s")

    @functools.partial(
        pl.kernel, mesh=mesh,
        out_type=jax.ShapeDtypeStruct((total,), jnp.int32),
        scratch_types=[
            pltpu.VMEM((L,), jnp.int32),
            pltpu.VMEM((per_w,), jnp.int32),
            pltpu.VMEM((per_w,), jnp.int32),
            pltpu.SemaphoreType.DMA,
        ],
    )
    def adjcol(adj_hbm, agent_hbm, out_hbm, agent_v, idx_v, rows_v, sem):
        wid = lax.axis_index("s") * NC + lax.axis_index("c")
        b = wid // wper
        jbase = (wid % wper) * per_w
        bvec = lax.iota(jnp.int32, L) * 0 + b
        pltpu.async_copy(agent_hbm.at[bvec], agent_v, sem).wait()
        agent_b = agent_v[...]
        for c in range(chunks):
            j_vec = jbase + c * L + lax.iota(jnp.int32, L)
            idx_v[pl.ds(c * L, L)] = (b * N + j_vec) * N + agent_b
        pltpu.async_copy(adj_hbm.at[idx_v], rows_v, sem).wait()
        pltpu.sync_copy(rows_v, out_hbm.at[pl.ds(wid * per_w, per_w)])

    return adjcol


def _gappo_kernel(agent_ref, obs_ref, adjcolT_ref, W_enc_ref, b_enc_ref,
                  W_l_ref, b_l_ref, W_r_ref, b_r_ref, attblk_ref, b_gat_ref,
                  W_act_ref, b_act_ref, W_val_ref, b_val_ref,
                  logits_ref, vs_ref, *, N, D, H, SB):
    g = pl.program_id(0)
    R = SB * N
    f32 = jnp.float32
    i32 = jnp.int32
    iota = jax.lax.broadcasted_iota

    obs = obs_ref[...]
    h = jnp.dot(obs, W_enc_ref[...], preferred_element_type=f32)
    h = jnp.maximum(h + b_enc_ref[...], 0.0)
    gl = jnp.dot(h, W_l_ref[...], preferred_element_type=f32) + b_l_ref[...]

    agents = [agent_ref[g * SB + i, 0] for i in range(SB)]
    agar = jnp.concatenate(
        [jnp.full((N, 1), a, dtype=i32) for a in agents], axis=0)

    ridx = iota(i32, (R, 1), 0)
    jmod = ridx % N
    Sb = (ridx // N == iota(i32, (R, SB), 1)).astype(f32)
    SbT = (iota(i32, (SB, R), 1) // N ==
           iota(i32, (SB, R), 0)).astype(f32)
    K = (iota(i32, (R, N), 1) == jmod).astype(f32)
    KT = (iota(i32, (N, R), 0) ==
          iota(i32, (N, R), 1) % N).astype(f32)

    selfsel_b = jmod == agar
    selfsel = selfsel_b.astype(f32)

    B_all = adjcolT_ref.shape[1]
    cw = jnp.dot(K, adjcolT_ref[...], preferred_element_type=f32)
    SbG = (g * SB + ridx // N == iota(i32, (R, B_all), 1)).astype(f32)
    adj_col = jnp.sum(cw * SbG, axis=1, keepdims=True)
    mask = (adj_col > 0.0) | selfsel_b

    h_a = jnp.dot(SbT, h * selfsel, preferred_element_type=f32)
    gr = jnp.dot(h_a, W_r_ref[...], preferred_element_type=f32) + b_r_ref[...]
    Gexp = jnp.dot(Sb, gr, preferred_element_type=f32)

    E = gl + Gexp
    E = jnp.where(E >= 0.0, E, 0.2 * E)
    s_both = jnp.dot(E, attblk_ref[...], preferred_element_type=f32)
    s_both = jnp.where(mask, s_both, f32(-1e9))

    alpha_cols = []
    for hh in range(H):
        sh = s_both[:, hh:hh + 1]
        s2T = jnp.dot(KT, sh * Sb, preferred_element_type=f32)
        m = jnp.max(s2T, axis=0, keepdims=True)
        ex = jnp.exp(s2T - m)
        alphaT = ex / jnp.sum(ex, axis=0, keepdims=True)
        af_all = jnp.dot(K, alphaT, preferred_element_type=f32)
        aflat = jnp.sum(af_all * Sb, axis=1, keepdims=True)
        alpha_cols.append(jnp.broadcast_to(aflat, (R, D)))
    alpha_cat = jnp.concatenate(alpha_cols, axis=1)

    out_full = jnp.dot(SbT, alpha_cat * gl, preferred_element_type=f32)
    acc = out_full[:, 0:D]
    for hh in range(1, H):
        acc = acc + out_full[:, hh * D:(hh + 1) * D]
    out_mean = acc * (1.0 / H) + b_gat_ref[...]

    feat = jnp.concatenate([h_a, out_mean], axis=1)
    logits_ref[:, 0, :] = jnp.dot(feat, W_act_ref[...], preferred_element_type=f32) + b_act_ref[...]
    vs_ref[:, 0, :] = jnp.dot(feat, W_val_ref[...], preferred_element_type=f32) + b_val_ref[...]


@jax.jit
def kernel(global_obs, adj, agent_id, W_enc, b_enc, W_l, b_l, W_r, b_r, att,
           b_gat, W_act, b_act, W_val, b_val):
    B, N, F = global_obs.shape
    D = W_enc.shape[1]
    H = att.shape[0]
    A = W_act.shape[1]
    SB = 8
    R = SB * N

    adjcol_flat = _make_adjcol_sc(B, N)(adj.reshape(B * N * N),
                                        agent_id.reshape(B))
    adjcolT = adjcol_flat.reshape(B, N).T.astype(jnp.float32)

    obs2d = global_obs.reshape(B * N, F)
    attblk = (att[:, :, None] * jnp.eye(H, dtype=att.dtype)[:, None, :]).reshape(H * D, H)
    b_enc2 = b_enc.reshape(1, D)
    b_l2 = b_l.reshape(1, H * D)
    b_r2 = b_r.reshape(1, H * D)
    b_gat2 = b_gat.reshape(1, D)
    b_act2 = b_act.reshape(1, A)
    b_val2 = b_val.reshape(1, 1)

    full = lambda shape: pl.BlockSpec(shape, lambda g: (0,) * len(shape))
    logits, vs = pl.pallas_call(
        functools.partial(_gappo_kernel, N=N, D=D, H=H, SB=SB),
        grid=(B // SB,),
        in_specs=[
            pl.BlockSpec(memory_space=pltpu.SMEM),
            pl.BlockSpec((R, F), lambda g: (g, 0)),
            full((N, B)),
            full((F, D)), full((1, D)),
            full((D, H * D)), full((1, H * D)),
            full((D, H * D)), full((1, H * D)),
            full((H * D, H)), full((1, D)),
            full((2 * D, A)), full((1, A)),
            full((2 * D, 1)), full((1, 1)),
        ],
        out_specs=[
            pl.BlockSpec((SB, 1, A), lambda g: (g, 0, 0)),
            pl.BlockSpec((SB, 1, 1), lambda g: (g, 0, 0)),
        ],
        out_shape=[
            jax.ShapeDtypeStruct((B, 1, A), jnp.float32),
            jax.ShapeDtypeStruct((B, 1, 1), jnp.float32),
        ],
        compiler_params=pltpu.CompilerParams(
            dimension_semantics=("arbitrary",),
        ),
    )(agent_id, obs2d, adjcolT, W_enc, b_enc2, W_l, b_l2, W_r, b_r2, attblk,
      b_gat2, W_act, b_act2, W_val, b_val2)
    return (logits.reshape(B, A), vs.reshape(B, 1))

# --- scband reference (transcript-rebuilt; emitter-appended) ---
"""Pipeline reference for scband-gappo-75076028334884 (READ-ONLY COPY).

The authoritative reference and input builder live on the scoring server;
editing this copy changes nothing except your own understanding.
"""

import jax
import jax.numpy as jnp
import numpy as np


def setup_inputs(seed: int = 0) -> dict:
    key = jax.random.key(seed)
    ks = jax.random.split(key, 12)
    B, N, F, D, H, A = 16, 128, 512, 128, 2, 6
    inp = {}
    inp['global_obs'] = jax.random.normal(ks[0], (B, N, F), dtype=jnp.float32)
    inp['adj'] = jax.random.randint(ks[1], (B, N, N), 0, 2, dtype=jnp.int32)
    inp['agent_id'] = jax.random.randint(ks[2], (B, 1), 0, N, dtype=jnp.int32)
    inp['W_enc'] = jax.random.normal(ks[3], (F, D), dtype=jnp.float32) / np.sqrt(F)
    inp['b_enc'] = jnp.zeros((D,), dtype=jnp.float32)
    inp['W_l'] = jax.random.normal(ks[4], (D, H * D), dtype=jnp.float32) / np.sqrt(D)
    inp['b_l'] = jnp.zeros((H * D,), dtype=jnp.float32)
    inp['W_r'] = jax.random.normal(ks[5], (D, H * D), dtype=jnp.float32) / np.sqrt(D)
    inp['b_r'] = jnp.zeros((H * D,), dtype=jnp.float32)
    inp['att'] = jax.random.normal(ks[6], (H, D), dtype=jnp.float32) / np.sqrt(D)
    inp['b_gat'] = jnp.zeros((D,), dtype=jnp.float32)
    inp['W_act'] = jax.random.normal(ks[7], (2 * D, A), dtype=jnp.float32) / np.sqrt(2 * D)
    inp['b_act'] = jnp.zeros((A,), dtype=jnp.float32)
    inp['W_val'] = jax.random.normal(ks[8], (2 * D, 1), dtype=jnp.float32) / np.sqrt(2 * D)
    inp['b_val'] = jnp.zeros((1,), dtype=jnp.float32)
    return inp


def reference(global_obs, adj, agent_id, W_enc, b_enc, W_l, b_l, W_r, b_r, att, b_gat, W_act, b_act, W_val, b_val):
    B, N, F = global_obs.shape
    D = W_enc.shape[1]
    H = att.shape[0]
    # MLPEncoder
    h = jax.nn.relu(jnp.matmul(global_obs, W_enc) + b_enc)  # [B, N, D]
    # GATv2Conv (heads=H, concat=False) on per-sample dense adjacency.
    # PyG convention: dense_to_sparse(adj) edge (s -> t) for adj[s, t] != 0;
    # attention at target t over sources s, i.e. mask[t, s] = adj[s, t] != 0, plus self-loops.
    gl = (jnp.matmul(h, W_l) + b_l).reshape(B, N, H, D)  # source-side transform
    gr = (jnp.matmul(h, W_r) + b_r).reshape(B, N, H, D)  # target-side transform

    def score_fn(args):
        glb, grb = args  # [N, H, D]
        e = jax.nn.leaky_relu(grb[:, None, :, :] + glb[None, :, :, :], negative_slope=0.2)  # [i, j, H, D]
        return jnp.einsum('ijhd,hd->hij', e, att)  # [H, N, N]

    scores = jax.lax.map(score_fn, (gl, gr))  # [B, H, N, N]
    mask = (jnp.swapaxes(adj, 1, 2) != 0) | jnp.eye(N, dtype=bool)[None, :, :]  # [B, N, N]
    scores = jnp.where(mask[:, None, :, :], scores, jnp.float32(-1e9))
    alpha = jax.nn.softmax(scores, axis=-1)
    out = jnp.einsum('bhij,bjhd->bihd', alpha, gl)  # aggregate source messages
    out = out.mean(axis=2) + b_gat  # concat=False -> head mean, [B, N, D]
    # one-hot agent selection (faithful to torch.bmm with one-hot)
    onehot = jax.nn.one_hot(agent_id, N, dtype=jnp.float32)  # [B, 1, N]
    obs_i = jnp.squeeze(jnp.matmul(onehot, h), axis=1)  # [B, D]
    r1_i = jnp.squeeze(jnp.matmul(onehot, out), axis=1)  # [B, D]
    feat = jnp.concatenate([obs_i, r1_i], axis=1)  # [B, 2D]
    logits = jnp.matmul(feat, W_act) + b_act  # [B, 6]
    vs = jnp.matmul(feat, W_val) + b_val  # [B, 1]
    return (logits, vs)

if __name__ == "__main__":
    import jax
    _d = setup_inputs()
    print(jax.jit(kernel)(*tuple(_d.values())))

</pallas_src>

<mosaic_0001>
#map = affine_map<(d0, d1) -> (0)>
module attributes {stable_mosaic.version = 14 : i64} {
  func.func @adjcol(%arg0: i32, %arg1: i32, %arg2: memref<262144xi32, #tpu.memory_space<hbm>>, %arg3: memref<16xi32, #tpu.memory_space<hbm>>, %arg4: memref<2048xi32, #tpu.memory_space<hbm>>, %arg5: memref<16xi32, #tpu.memory_space<vmem>>, %arg6: memref<64xi32, #tpu.memory_space<vmem>>, %arg7: memref<64xi32, #tpu.memory_space<vmem>>, %arg8: memref<!tpu.dma_semaphore, #tpu.memory_space<semaphore_mem>>) attributes {dimension_semantics = [#tpu.dimension_semantics<core_parallel>, #tpu.dimension_semantics<subcore_parallel>], iteration_bounds = array<i64: 2, 16>, scalar_prefetch = 0 : i64, scratch_operands = 4 : i64, tpu.core_type = #tpu.core_type<sc_vector_subcore>, window_params = [{transform_indices = #map}, {transform_indices = #map}, {transform_indices = #map}]} {
    %mul3A = arith.constant 2 : i32
    %mul3A_0 = arith.muli %arg1, %mul3A : i32
    %add3A = arith.addi %mul3A_0, %arg0 : i32
    %jit3A = arith.constant 2 : i32
    %div3A = arith.divsi %add3A, %jit3A : i32
    %sign3A = arith.constant 0 : i32
    %sign3A_1 = arith.cmpi sgt, %add3A, %sign3A : i32
    %sign3A_2 = arith.extui %sign3A_1 : i1 to i32
    %sign3A_3 = arith.constant 0 : i32
    %sign3A_4 = arith.cmpi slt, %add3A, %sign3A_3 : i32
    %sign3A_5 = arith.extui %sign3A_4 : i1 to i32
    %sign3A_6 = arith.subi %sign3A_2, %sign3A_5 : i32
    %sign3A_7 = arith.constant 0 : i32
    %sign3A_8 = arith.cmpi sgt, %jit3A, %sign3A_7 : i32
    %sign3A_9 = arith.extui %sign3A_8 : i1 to i32
    %sign3A_10 = arith.constant 0 : i32
    %sign3A_11 = arith.cmpi slt, %jit3A, %sign3A_10 : i32
    %sign3A_12 = arith.extui %sign3A_11 : i1 to i32
    %sign3A_13 = arith.subi %sign3A_9, %sign3A_12 : i32
    %ne3A = arith.cmpi ne, %sign3A_6, %sign3A_13 : i32
    %rem3A = arith.remsi %add3A, %jit3A : i32
    %ne3A_14 = arith.constant 0 : i32
    %ne3A_15 = arith.cmpi ne, %rem3A, %ne3A_14 : i32
    %and3A = arith.andi %ne3A, %ne3A_15 : i1
    %sub3A = arith.constant 1 : i32
    %sub3A_16 = arith.subi %div3A, %sub3A : i32
    %select_n3A = arith.select %and3A, %sub3A_16, %div3A : i32
    %jit3A_17 = arith.constant 2 : i32
    %eq3A = arith.constant 0 : i32
    %eq3A_18 = arith.cmpi eq, %jit3A_17, %eq3A : i32
    %jit3A_19 = arith.constant 1 : i32
    %select_n3A_20 = arith.select %eq3A_18, %jit3A_19, %jit3A_17 : i32
    %rem3A_21 = arith.remsi %add3A, %select_n3A_20 : i32
    %ne3A_22 = arith.constant 0 : i32
    %ne3A_23 = arith.cmpi ne, %rem3A_21, %ne3A_22 : i32
    %lt3A = arith.constant 0 : i32
    %lt3A_24 = arith.cmpi slt, %rem3A_21, %lt3A : i32
    %lt3A_25 = arith.constant 0 : i32
    %lt3A_26 = arith.cmpi slt, %select_n3A_20, %lt3A_25 : i32
    %ne3A_27 = arith.xori %lt3A_24, %lt3A_26 : i1
    %and3A_28 = arith.andi %ne3A_27, %ne3A_23 : i1
    %add3A_29 = arith.addi %rem3A_21, %select_n3A_20 : i32
    %select_n3A_30 = arith.select %and3A_28, %add3A_29, %rem3A_21 : i32
    %mul3A_31 = arith.constant 64 : i32
    %mul3A_32 = arith.muli %select_n3A_30, %mul3A_31 : i32
    %iota3A = tpu.iota {dimensions = array<i32: 0>} : vector<16xi32>
    %mul3A_33 = arith.constant 0 : i32
    %mul3A_34 = vector.broadcast %mul3A_33 : i32 to vector<16xi32>
    %mul3A_35 = arith.muli %iota3A, %mul3A_34 : vector<16xi32>
    %add3A_36 = vector.broadcast %select_n3A : i32 to vector<16xi32>
    %add3A_37 = arith.addi %mul3A_35, %add3A_36 : vector<16xi32>
    %dma_start3A = arith.constant 0 : i32
    %dma_start3A_38 = tpu.memref_slice %arg3[%dma_start3A] : memref<16xi32, #tpu.memory_space<hbm>> -> memref<16xi32, #tpu.memory_space<hbm>>
    tpu.enqueue_indirect_dma source(%dma_start3A_38 : memref<16xi32, #tpu.memory_space<hbm>>) target(%arg5 : memref<16xi32, #tpu.memory_space<vmem>>) offsets(%add3A_37 : vector<16xi32>) semaphore(%arg8 : memref<!tpu.dma_semaphore, #tpu.memory_space<semaphore_mem>>)
    %dma_wait3A = arith.constant 0 : i32
    %dma_wait3A_39 = tpu.memref_slice %arg3[%dma_wait3A] : memref<16xi32, #tpu.memory_space<hbm>> -> memref<16xi32, #tpu.memory_space<hbm>>
    tpu.wait_indirect_dma semaphore(%arg8 : memref<!tpu.dma_semaphore, #tpu.memory_space<semaphore_mem>>) src(%dma_wait3A_39 : memref<16xi32, #tpu.memory_space<hbm>>) dst(%arg5 : memref<16xi32, #tpu.memory_space<vmem>>)
    %get3A = arith.constant 0 : index
    %get3A_40 = tpu.vector_load %arg5[%get3A] {strides = array<i32>} : memref<16xi32, #tpu.memory_space<vmem>>, vector<16xi32>,
    %get3A_41 = vector.shape_cast %get3A_40 : vector<16xi32> to vector<16xi32>
    %add3A_42 = arith.constant 0 : i32
    %add3A_43 = arith.addi %mul3A_32, %add3A_42 : i32
    %iota3A_44 = tpu.iota {dimensions = array<i32: 0>} : vector<16xi32>
    %add3A_45 = vector.broadcast %add3A_43 : i32 to vector<16xi32>
    %add3A_46 = arith.addi %add3A_45, %iota3A_44 : vector<16xi32>
    %mul3A_47 = arith.constant 128 : i32
    %mul3A_48 = arith.muli %select_n3A, %mul3A_47 : i32
    %add3A_49 = vector.broadcast %mul3A_48 : i32 to vector<16xi32>
    %add3A_50 = arith.addi %add3A_49, %add3A_46 : vector<16xi32>
    %mul3A_51 = arith.constant 128 : i32
    %mul3A_52 = vector.broadcast %mul3A_51 : i32 to vector<16xi32>
    %mul3A_53 = arith.muli %add3A_50, %mul3A_52 : vector<16xi32>
    %add3A_54 = arith.addi %mul3A_53, %get3A_41 : vector<16xi32>
    %swap3A = arith.constant 0 : index
    %swap3A_55 = tpu.vector_load %arg6[%swap3A] {strides = array<i32>} : memref<64xi32, #tpu.memory_space<vmem>>, vector<16xi32>,
    %swap3A_56 = vector.shape_cast %swap3A_55 : vector<16xi32> to vector<16xi32>
    %swap3A_57 = vector.shape_cast %add3A_54 : vector<16xi32> to vector<16xi32>
    tpu.vector_store %arg6[%swap3A], %swap3A_57 {strides = array<i32>} : memref<64xi32, #tpu.memory_space<vmem>>, vector<16xi32>,
    %add3A_58 = arith.constant 16 : i32
    %add3A_59 = arith.addi %mul3A_32, %add3A_58 : i32
    %iota3A_60 = tpu.iota {dimensions = array<i32: 0>} : vector<16xi32>
    %add3A_61 = vector.broadcast %add3A_59 : i32 to vector<16xi32>
    %add3A_62 = arith.addi %add3A_61, %iota3A_60 : vector<16xi32>
    %mul3A_63 = arith.constant 128 : i32
    %mul3A_64 = arith.muli %select_n3A, %mul3A_63 : i32
    %add3A_65 = vector.broadcast %mul3A_64 : i32 to vector<16xi32>
    %add3A_66 = arith.addi %add3A_65, %add3A_62 : vector<16xi32>
    %mul3A_67 = arith.constant 128 : i32
    %mul3A_68 = vector.broadcast %mul3A_67 : i32 to vector<16xi32>
    %mul3A_69 = arith.muli %add3A_66, %mul3A_68 : vector<16xi32>
    %add3A_70 = arith.addi %mul3A_69, %get3A_41 : vector<16xi32>
    %swap3A_71 = arith.constant 16 : index
    %swap3A_72 = tpu.vector_load %arg6[%swap3A_71] {strides = array<i32>} : memref<64xi32, #tpu.memory_space<vmem>>, vector<16xi32>,
    %swap3A_73 = vector.shape_cast %swap3A_72 : vector<16xi32> to vector<16xi32>
    %swap3A_74 = vector.shape_cast %add3A_70 : vector<16xi32> to vector<16xi32>
    tpu.vector_store %arg6[%swap3A_71], %swap3A_74 {strides = array<i32>} : memref<64xi32, #tpu.memory_space<vmem>>, vector<16xi32>,
    %add3A_75 = arith.constant 32 : i32
    %add3A_76 = arith.addi %mul3A_32, %add3A_75 : i32
    %iota3A_77 = tpu.iota {dimensions = array<i32: 0>} : vector<16xi32>
    %add3A_78 = vector.broadcast %add3A_76 : i32 to vector<16xi32>
    %add3A_79 = arith.addi %add3A_78, %iota3A_77 : vector<16xi32>
    %mul3A_80 = arith.constant 128 : i32
    %mul3A_81 = arith.muli %select_n3A, %mul3A_80 : i32
    %add3A_82 = vector.broadcast %mul3A_81 : i32 to vector<16xi32>
    %add3A_83 = arith.addi %add3A_82, %add3A_79 : vector<16xi32>
    %mul3A_84 = arith.constant 128 : i32
    %mul3A_85 = vector.broadcast %mul3A_84 : i32 to vector<16xi32>
    %mul3A_86 = arith.muli %add3A_83, %mul3A_85 : vector<16xi32>
    %add3A_87 = arith.addi %mul3A_86, %get3A_41 : vector<16xi32>
    %swap3A_88 = arith.constant 32 : index
    %swap3A_89 = tpu.vector_load %arg6[%swap3A_88] {strides = array<i32>} : memref<64xi32, #tpu.memory_space<vmem>>, vector<16xi32>,
    %swap3A_90 = vector.shape_cast %swap3A_89 : vector<16xi32> to vector<16xi32>
    %swap3A_91 = vector.shape_cast %add3A_87 : vector<16xi32> to vector<16xi32>
    tpu.vector_store %arg6[%swap3A_88], %swap3A_91 {strides = array<i32>} : memref<64xi32, #tpu.memory_space<vmem>>, vector<16xi32>,
    %add3A_92 = arith.constant 48 : i32
    %add3A_93 = arith.addi %mul3A_32, %add3A_92 : i32
    %iota3A_94 = tpu.iota {dimensions = array<i32: 0>} : vector<16xi32>
    %add3A_95 = vector.broadcast %add3A_93 : i32 to vector<16xi32>
    %add3A_96 = arith.addi %add3A_95, %iota3A_94 : vector<16xi32>
    %mul3A_97 = arith.constant 128 : i32
    %mul3A_98 = arith.muli %select_n3A, %mul3A_97 : i32
    %add3A_99 = vector.broadcast %mul3A_98 : i32 to vector<16xi32>
    %add3A_100 = arith.addi %add3A_99, %add3A_96 : vector<16xi32>
    %mul3A_101 = arith.constant 128 : i32
    %mul3A_102 = vector.broadcast %mul3A_101 : i32 to vector<16xi32>
    %mul3A_103 = arith.muli %add3A_100, %mul3A_102 : vector<16xi32>
    %add3A_104 = arith.addi %mul3A_103, %get3A_41 : vector<16xi32>
    %swap3A_105 = arith.constant 48 : index
    %swap3A_106 = tpu.vector_load %arg6[%swap3A_105] {strides = array<i32>} : memref<64xi32, #tpu.memory_space<vmem>>, vector<16xi32>,
    %swap3A_107 = vector.shape_cast %swap3A_106 : vector<16xi32> to vector<16xi32>
    %swap3A_108 = vector.shape_cast %add3A_104 : vector<16xi32> to vector<16xi32>
    tpu.vector_store %arg6[%swap3A_105], %swap3A_108 {strides = array<i32>} : memref<64xi32, #tpu.memory_space<vmem>>, vector<16xi32>,
    %dma_start3A_109 = arith.constant 0 : i32
    %dma_start3A_110 = tpu.memref_slice %arg2[%dma_start3A_109] : memref<262144xi32, #tpu.memory_space<hbm>> -> memref<262144xi32, #tpu.memory_space<hbm>>
    tpu.enqueue_indirect_dma source(%dma_start3A_110 : memref<262144xi32, #tpu.memory_space<hbm>>) target(%arg7 : memref<64xi32, #tpu.memory_space<vmem>>) offsets(%arg6 : memref<64xi32, #tpu.memory_space<vmem>>) semaphore(%arg8 : memref<!tpu.dma_semaphore, #tpu.memory_space<semaphore_mem>>)
    %dma_wait3A_111 = arith.constant 0 : i32
    %dma_wait3A_112 = tpu.memref_slice %arg2[%dma_wait3A_111] : memref<262144xi32, #tpu.memory_space<hbm>> -> memref<262144xi32, #tpu.memory_space<hbm>>
    tpu.wait_indirect_dma semaphore(%arg8 : memref<!tpu.dma_semaphore, #tpu.memory_space<semaphore_mem>>) src(%dma_wait3A_112 : memref<262144xi32, #tpu.memory_space<hbm>>) dst(%arg7 : memref<64xi32, #tpu.memory_space<vmem>>)
    %mul3A_113 = arith.constant 64 : i32
    %mul3A_114 = arith.muli %add3A, %mul3A_113 : i32
    "tpu.region"() ({
      %run_scoped3A = tpu.sem_alloc : memref<!tpu.dma_semaphore, #tpu.memory_space<semaphore_mem>>
      %dma_start3A_115 = tpu.memref_slice %arg4[%mul3A_114] : memref<2048xi32, #tpu.memory_space<hbm>> -> memref<64xi32, #tpu.memory_space<hbm>>
      %dma_start3A_116 = tpu.memref_slice %arg4[%mul3A_114] : memref<2048xi32, #tpu.memory_space<hbm>> -> memref<64xi32, #tpu.memory_space<hbm>>
      tpu.enqueue_dma source(%arg7 : memref<64xi32, #tpu.memory_space<vmem>>) target(%dma_start3A_116 : memref<64xi32, #tpu.memory_space<hbm>>) target_semaphore(%run_scoped3A : memref<!tpu.dma_semaphore, #tpu.memory_space<semaphore_mem>>)
      %dma_wait3A_117 = tpu.memref_slice %arg4[%mul3A_114] : memref<2048xi32, #tpu.memory_space<hbm>> -> memref<64xi32, #tpu.memory_space<hbm>>
      %dma_wait3A_118 = tpu.memref_slice %arg4[%mul3A_114] : memref<2048xi32, #tpu.memory_space<hbm>> -> memref<64xi32, #tpu.memory_space<hbm>>
      tpu.wait_dma2 semaphore(%run_scoped3A : memref<!tpu.dma_semaphore, #tpu.memory_space<semaphore_mem>>) src(%arg7 : memref<64xi32, #tpu.memory_space<vmem>>) dst(%dma_wait3A_118 : memref<64xi32, #tpu.memory_space<hbm>>)
      tpu.yield
    }) : () -> ()
    return
  }
}

module attributes {stable_mosaic.version = 14 : i64} {
  func.func @_gappo_kernel(%arg0: i32, %arg1: memref<16x1xi32, #tpu.memory_space<smem>>, %arg2: memref<1024x512xf32, #tpu.memory_space<vmem>>, %arg3: memref<128x16xf32, #tpu.memory_space<vmem>>, %arg4: memref<512x128xf32, #tpu.memory_space<vmem>>, %arg5: memref<1x128xf32, #tpu.memory_space<vmem>>, %arg6: memref<128x256xf32, #tpu.memory_space<vmem>>, %arg7: memref<1x256xf32, #tpu.memory_space<vmem>>, %arg8: memref<128x256xf32, #tpu.memory_space<vmem>>, %arg9: memref<1x256xf32, #tpu.memory_space<vmem>>, %arg10: memref<256x2xf32, #tpu.memory_space<vmem>>, %arg11: memref<1x128xf32, #tpu.memory_space<vmem>>, %arg12: memref<256x6xf32, #tpu.memory_space<vmem>>, %arg13: memref<1x6xf32, #tpu.memory_space<vmem>>, %arg14: memref<256x1xf32, #tpu.memory_space<vmem>>, %arg15: memref<1x1xf32, #tpu.memory_space<vmem>>, %arg16: memref<8x1x6xf32, #tpu.memory_space<vmem>>, %arg17: memref<8x1x1xf32, #tpu.memory_space<vmem>>) attributes {dimension_semantics = [#tpu.dimension_semantics<arbitrary>], iteration_bounds = array<i64: 2>, scalar_prefetch = 0 : i64, scratch_operands = 0 : i64, tpu.core_type = #tpu.core_type<tc>, window_params = [{transform_indices = @transform_0, window_bounds = array<i64: 16, 1>}, {transform_indices = @transform_1, window_bounds = array<i64: 1024, 512>}, {pipeline_mode = #tpu.pipeline_mode<synchronous>, transform_indices = @transform_2, window_bounds = array<i64: 128, 16>}, {pipeline_mode = #tpu.pipeline_mode<synchronous>, transform_indices = @transform_3, window_bounds = array<i64: 512, 128>}, {pipeline_mode = #tpu.pipeline_mode<synchronous>, transform_indices = @transform_4, window_bounds = array<i64: 1, 128>}, {pipeline_mode = #tpu.pipeline_mode<synchronous>, transform_indices = @transform_5, window_bounds = array<i64: 128, 256>}, {pipeline_mode = #tpu.pipeline_mode<synchronous>, transform_indices = @transform_6, window_bounds = array<i64: 1, 256>}, {pipeline_mode = #tpu.pipeline_mode<synchronous>, transform_indices = @transform_7, window_bounds = array<i64: 128, 256>}, {pipeline_mode = #tpu.pipeline_mode<synchronous>, transform_indices = @transform_8, window_bounds = array<i64: 1, 256>}, {pipeline_mode = #tpu.pipeline_mode<synchronous>, transform_indices = @transform_9, window_bounds = array<i64: 256, 2>}, {pipeline_mode = #tpu.pipeline_mode<synchronous>, transform_indices = @transform_10, window_bounds = array<i64: 1, 128>}, {pipeline_mode = #tpu.pipeline_mode<synchronous>, transform_indices = @transform_11, window_bounds = array<i64: 256, 6>}, {pipeline_mode = #tpu.pipeline_mode<synchronous>, transform_indices = @transform_12, window_bounds = array<i64: 1, 6>}, {pipeline_mode = #tpu.pipeline_mode<synchronous>, transform_indices = @transform_13, window_bounds = array<i64: 256, 1>}, {pipeline_mode = #tpu.pipeline_mode<synchronous>, transform_indices = @transform_14, window_bounds = array<i64: 1, 1>}, {transform_indices = @transform_15, window_bounds = array<i64: 8, 1, 6>}, {transform_indices = @transform_16, window_bounds = array<i64: 8, 1, 1>}]} {
    %get3A = arith.constant 0 : index
    %get3A_0 = arith.constant 0 : index
    %get3A_1 = vector.load %arg2[%get3A, %get3A_0] : memref<1024x512xf32, #tpu.memory_space<vmem>>, vector<1024x512xf32>
    %get3A_2 = arith.constant 0 : index
    %get3A_3 = arith.constant 0 : index
    %get3A_4 = vector.load %arg4[%get3A_2, %get3A_3] : memref<512x128xf32, #tpu.memory_space<vmem>>, vector<512x128xf32>
    %dot_general3A = arith.constant dense<0.000000e+00> : vector<1024x128xf32>
    %dot_general3A_5 = tpu.matmul %get3A_1, %get3A_4, %dot_general3A {dimension_numbers = #tpu.dot_dimension_numbers<[1], [0], [0], [1], [0, 0, 1, 1], [], []>, transpose_lhs_hint = false} : vector<1024x512xf32>, vector<512x128xf32>, vector<1024x128xf32> -> vector<1024x128xf32>
    %get3A_6 = arith.constant 0 : index
    %get3A_7 = arith.constant 0 : index
    %get3A_8 = vector.load %arg5[%get3A_6, %get3A_7] : memref<1x128xf32, #tpu.memory_space<vmem>>, vector<1x128xf32>
    %add3A = vector.broadcast %get3A_8 : vector<1x128xf32> to vector<1024x128xf32>
    %add3A_9 = arith.addf %dot_general3A_5, %add3A : vector<1024x128xf32>
    %max3A = arith.constant 0.000000e+00 : f32
    %max3A_10 = vector.broadcast %max3A : f32 to vector<1024x128xf32>
    %max3A_11 = arith.maximumf %add3A_9, %max3A_10 : vector<1024x128xf32>
    %get3A_12 = arith.constant 0 : index
    %get3A_13 = arith.constant 0 : index
    %get3A_14 = vector.load %arg6[%get3A_12, %get3A_13] : memref<128x256xf32, #tpu.memory_space<vmem>>, vector<128x256xf32>
    %dot_general3A_15 = arith.constant dense<0.000000e+00> : vector<1024x256xf32>
    %dot_general3A_16 = tpu.matmul %max3A_11, %get3A_14, %dot_general3A_15 {dimension_numbers = #tpu.dot_dimension_numbers<[1], [0], [0], [1], [0, 0, 1, 1], [], []>, transpose_lhs_hint = false} : vector<1024x128xf32>, vector<128x256xf32>, vector<1024x256xf32> -> vector<1024x256xf32>
    %get3A_17 = arith.constant 0 : index
    %get3A_18 = arith.constant 0 : index
    %get3A_19 = vector.load %arg7[%get3A_17, %get3A_18] : memref<1x256xf32, #tpu.memory_space<vmem>>, vector<1x256xf32>
    %add3A_20 = vector.broadcast %get3A_19 : vector<1x256xf32> to vector<1024x256xf32>
    %add3A_21 = arith.addf %dot_general3A_16, %add3A_20 : vector<1024x256xf32>
    %mul3A = arith.constant 8 : i32
    %mul3A_22 = arith.muli %arg0, %mul3A : i32
    %add3A_23 = arith.constant 0 : i32
    %add3A_24 = arith.addi %mul3A_22, %add3A_23 : i32
    %get3A_25 = arith.index_cast %add3A_24 : i32 to index
    %get3A_26 = arith.constant 0 : index
    %get3A_27 = memref.load %arg1[%get3A_25, %get3A_26] : memref<16x1xi32, #tpu.memory_space<smem>>
    %mul3A_28 = arith.constant 8 : i32
    %mul3A_29 = arith.muli %arg0, %mul3A_28 : i32
    %add3A_30 = arith.constant 1 : i32
    %add3A_31 = arith.addi %mul3A_29, %add3A_30 : i32
    %get3A_32 = arith.index_cast %add3A_31 : i32 to index
    %get3A_33 = arith.constant 0 : index
    %get3A_34 = memref.load %arg1[%get3A_32, %get3A_33] : memref<16x1xi32, #tpu.memory_space<smem>>
    %mul3A_35 = arith.constant 8 : i32
    %mul3A_36 = arith.muli %arg0, %mul3A_35 : i32
    %add3A_37 = arith.constant 2 : i32
    %add3A_38 = arith.addi %mul3A_36, %add3A_37 : i32
    %get3A_39 = arith.index_cast %add3A_38 : i32 to index
    %get3A_40 = arith.constant 0 : index
    %get3A_41 = memref.load %arg1[%get3A_39, %get3A_40] : memref<16x1xi32, #tpu.memory_space<smem>>
    %mul3A_42 = arith.constant 8 : i32
    %mul3A_43 = arith.muli %arg0, %mul3A_42 : i32
    %add3A_44 = arith.constant 3 : i32
    %add3A_45 = arith.addi %mul3A_43, %add3A_44 : i32
    %get3A_46 = arith.index_cast %add3A_45 : i32 to index
    %get3A_47 = arith.constant 0 : index
    %get3A_48 = memref.load %arg1[%get3A_46, %get3A_47] : memref<16x1xi32, #tpu.memory_space<smem>>
    %mul3A_49 = arith.constant 8 : i32
    %mul3A_50 = arith.muli %arg0, %mul3A_49 : i32
    %add3A_51 = arith.constant 4 : i32
    %add3A_52 = arith.addi %mul3A_50, %add3A_51 : i32
    %get3A_53 = arith.index_cast %add3A_52 : i32 to index
    %get3A_54 = arith.constant 0 : index
    %get3A_55 = memref.load %arg1[%get3A_53, %get3A_54] : memref<16x1xi32, #tpu.memory_space<smem>>
    %mul3A_56 = arith.constant 8 : i32
    %mul3A_57 = arith.muli %arg0, %mul3A_56 : i32
    %add3A_58 = arith.constant 5 : i32
    %add3A_59 = arith.addi %mul3A_57, %add3A_58 : i32
    %get3A_60 = arith.index_cast %add3A_59 : i32 to index
    %get3A_61 = arith.constant 0 : index
    %get3A_62 = memref.load %arg1[%get3A_60, %get3A_61] : memref<16x1xi32, #tpu.memory_space<smem>>
    %mul3A_63 = arith.constant 8 : i32
    %mul3A_64 = arith.muli %arg0, %mul3A_63 : i32
    %add3A_65 = arith.constant 6 : i32
    %add3A_66 = arith.addi %mul3A_64, %add3A_65 : i32
    %get3A_67 = arith.index_cast %add3A_66 : i32 to index
    %get3A_68 = arith.constant 0 : index
    %get3A_69 = memref.load %arg1[%get3A_67, %get3A_68] : memref<16x1xi32, #tpu.memory_space<smem>>
    %mul3A_70 = arith.constant 8 : i32
    %mul3A_71 = arith.muli %arg0, %mul3A_70 : i32
    %add3A_72 = arith.constant 7 : i32
    %add3A_73 = arith.addi %mul3A_71, %add3A_72 : i32
    %get3A_74 = arith.index_cast %add3A_73 : i32 to index
    %get3A_75 = arith.constant 0 : index
    %get3A_76 = memref.load %arg1[%get3A_74, %get3A_75] : memref<16x1xi32, #tpu.memory_space<smem>>
    %broadcast_in_dim3A = vector.broadcast %get3A_27 : i32 to vector<128x1xi32>
    %broadcast_in_dim3A_77 = vector.broadcast %get3A_34 : i32 to vector<128x1xi32>
    %broadcast_in_dim3A_78 = vector.broadcast %get3A_41 : i32 to vector<128x1xi32>
    %broadcast_in_dim3A_79 = vector.broadcast %get3A_48 : i32 to vector<128x1xi32>
    %broadcast_in_dim3A_80 = vector.broadcast %get3A_55 : i32 to vector<128x1xi32>
    %broadcast_in_dim3A_81 = vector.broadcast %get3A_62 : i32 to vector<128x1xi32>
    %broadcast_in_dim3A_82 = vector.broadcast %get3A_69 : i32 to vector<128x1xi32>
    %broadcast_in_dim3A_83 = vector.broadcast %get3A_76 : i32 to vector<128x1xi32>
    %concatenate3A = tpu.concatenate %broadcast_in_dim3A, %broadcast_in_dim3A_77, %broadcast_in_dim3A_78, %broadcast_in_dim3A_79, %broadcast_in_dim3A_80, %broadcast_in_dim3A_81, %broadcast_in_dim3A_82, %broadcast_in_dim3A_83 in 0 : vector<128x1xi32>, vector<128x1xi32>, vector<128x1xi32>, vector<128x1xi32>, vector<128x1xi32>, vector<128x1xi32>, vector<128x1xi32>, vector<128x1xi32> -> vector<1024x1xi32>
    %iota3A = tpu.iota {dimensions = array<i32: 0>} : vector<1024x1xi32>
    %jit3A = arith.constant 128 : i32
    %eq3A = arith.constant 0 : i32
    %eq3A_84 = arith.cmpi eq, %jit3A, %eq3A : i32
    %jit3A_85 = arith.constant 1 : i32
    %select_n3A = arith.select %eq3A_84, %jit3A_85, %jit3A : i32
    %rem3A = vector.broadcast %select_n3A : i32 to vector<1024x1xi32>
    %rem3A_86 = arith.remsi %iota3A, %rem3A : vector<1024x1xi32>
    %ne3A = arith.constant 0 : i32
    %ne3A_87 = vector.broadcast %ne3A : i32 to vector<1024x1xi32>
    %ne3A_88 = arith.cmpi ne, %rem3A_86, %ne3A_87 : vector<1024x1xi32>
    %lt3A = arith.constant 0 : i32
    %lt3A_89 = vector.broadcast %lt3A : i32 to vector<1024x1xi32>
    %lt3A_90 = arith.cmpi slt, %rem3A_86, %lt3A_89 : vector<1024x1xi32>
    %lt3A_91 = arith.constant 0 : i32
    %lt3A_92 = arith.cmpi slt, %select_n3A, %lt3A_91 : i32
    %ne3A_93 = vector.broadcast %lt3A_92 : i1 to vector<1024x1xi1>
    %ne3A_94 = vector.broadcast %ne3A_93 : vector<1024x1xi1> to vector<1024x1xi1>
    %ne3A_95 = arith.xori %lt3A_90, %ne3A_94 : vector<1024x1xi1>
    %and3A = arith.andi %ne3A_95, %ne3A_88 : vector<1024x1xi1>
    %add3A_96 = vector.broadcast %select_n3A : i32 to vector<1024x1xi32>
    %add3A_97 = arith.addi %rem3A_86, %add3A_96 : vector<1024x1xi32>
    %select_n3A_98 = arith.select %and3A, %add3A_97, %rem3A_86 : vector<1024x1xi1>, vector<1024x1xi32>
    %jit3A_99 = arith.constant 128 : i32
    %div3A = vector.broadcast %jit3A_99 : i32 to vector<1024x1xi32>
    %div3A_100 = arith.divsi %iota3A, %div3A : vector<1024x1xi32>
    %sign3A = arith.constant 0 : i32
    %sign3A_101 = vector.broadcast %sign3A : i32 to vector<1024x1xi32>
    %sign3A_102 = arith.cmpi sgt, %iota3A, %sign3A_101 : vector<1024x1xi32>
    %sign3A_103 = arith.extui %sign3A_102 : vector<1024x1xi1> to vector<1024x1xi32>
    %sign3A_104 = arith.constant 0 : i32
    %sign3A_105 = vector.broadcast %sign3A_104 : i32 to vector<1024x1xi32>
    %sign3A_106 = arith.cmpi slt, %iota3A, %sign3A_105 : vector<1024x1xi32>
    %sign3A_107 = arith.extui %sign3A_106 : vector<1024x1xi1> to vector<1024x1xi32>
    %sign3A_108 = arith.subi %sign3A_103, %sign3A_107 : vector<1024x1xi32>
    %sign3A_109 = arith.constant 0 : i32
    %sign3A_110 = arith.cmpi sgt, %jit3A_99, %sign3A_109 : i32
    %sign3A_111 = arith.extui %sign3A_110 : i1 to i32
    %sign3A_112 = arith.constant 0 : i32
    %sign3A_113 = arith.cmpi slt, %jit3A_99, %sign3A_112 : i32
    %sign3A_114 = arith.extui %sign3A_113 : i1 to i32
    %sign3A_115 = arith.subi %sign3A_111, %sign3A_114 : i32
    %ne3A_116 = vector.broadcast %sign3A_115 : i32 to vector<1024x1xi32>
    %ne3A_117 = arith.cmpi ne, %sign3A_108, %ne3A_116 : vector<1024x1xi32>
    %rem3A_118 = vector.broadcast %jit3A_99 : i32 to vector<1024x1xi32>
    %rem3A_119 = arith.remsi %iota3A, %rem3A_118 : vector<1024x1xi32>
    %ne3A_120 = arith.constant 0 : i32
    %ne3A_121 = vector.broadcast %ne3A_120 : i32 to vector<1024x1xi32>
    %ne3A_122 = arith.cmpi ne, %rem3A_119, %ne3A_121 : vector<1024x1xi32>
    %and3A_123 = arith.andi %ne3A_117, %ne3A_122 : vector<1024x1xi1>
    %sub3A = arith.constant 1 : i32
    %sub3A_124 = vector.broadcast %sub3A : i32 to vector<1024x1xi32>
    %sub3A_125 = arith.subi %div3A_100, %sub3A_124 : vector<1024x1xi32>
    %select_n3A_126 = arith.select %and3A_123, %sub3A_125, %div3A_100 : vector<1024x1xi1>, vector<1024x1xi32>
    %iota3A_127 = tpu.iota {dimensions = array<i32: 1>} : vector<1024x8xi32>
    %eq3A_128 = vector.broadcast %select_n3A_126 : vector<1024x1xi32> to vector<1024x8xi32>
    %eq3A_129 = arith.cmpi eq, %eq3A_128, %iota3A_127 : vector<1024x8xi32>
    %convert_element_type3A = arith.extui %eq3A_129 : vector<1024x8xi1> to vector<1024x8xi32>
    %convert_element_type3A_130 = arith.sitofp %convert_element_type3A : vector<1024x8xi32> to vector<1024x8xf32>
    %iota3A_131 = tpu.iota {dimensions = array<i32: 1>} : vector<8x1024xi32>
    %jit3A_132 = arith.constant 128 : i32
    %div3A_133 = vector.broadcast %jit3A_132 : i32 to vector<8x1024xi32>
    %div3A_134 = arith.divsi %iota3A_131, %div3A_133 : vector<8x1024xi32>
    %sign3A_135 = arith.constant 0 : i32
    %sign3A_136 = vector.broadcast %sign3A_135 : i32 to vector<8x1024xi32>
    %sign3A_137 = arith.cmpi sgt, %iota3A_131, %sign3A_136 : vector<8x1024xi32>
    %sign3A_138 = arith.extui %sign3A_137 : vector<8x1024xi1> to vector<8x1024xi32>
    %sign3A_139 = arith.constant 0 : i32
    %sign3A_140 = vector.broadcast %sign3A_139 : i32 to vector<8x1024xi32>
    %sign3A_141 = arith.cmpi slt, %iota3A_131, %sign3A_140 : vector<8x1024xi32>
    %sign3A_142 = arith.extui %sign3A_141 : vector<8x1024xi1> to vector<8x1024xi32>
    %sign3A_143 = arith.subi %sign3A_138, %sign3A_142 : vector<8x1024xi32>
    %sign3A_144 = arith.constant 0 : i32
    %sign3A_145 = arith.cmpi sgt, %jit3A_132, %sign3A_144 : i32
    %sign3A_146 = arith.extui %sign3A_145 : i1 to i32
    %sign3A_147 = arith.constant 0 : i32
    %sign3A_148 = arith.cmpi slt, %jit3A_132, %sign3A_147 : i32
    %sign3A_149 = arith.extui %sign3A_148 : i1 to i32
    %sign3A_150 = arith.subi %sign3A_146, %sign3A_149 : i32
    %ne3A_151 = vector.broadcast %sign3A_150 : i32 to vector<8x1024xi32>
    %ne3A_152 = arith.cmpi ne, %sign3A_143, %ne3A_151 : vector<8x1024xi32>
    %rem3A_153 = vector.broadcast %jit3A_132 : i32 to vector<8x1024xi32>
    %rem3A_154 = arith.remsi %iota3A_131, %rem3A_153 : vector<8x1024xi32>
    %ne3A_155 = arith.constant 0 : i32
    %ne3A_156 = vector.broadcast %ne3A_155 : i32 to vector<8x1024xi32>
    %ne3A_157 = arith.cmpi ne, %rem3A_154, %ne3A_156 : vector<8x1024xi32>
    %and3A_158 = arith.andi %ne3A_152, %ne3A_157 : vector<8x1024xi1>
    %sub3A_159 = arith.constant 1 : i32
    %sub3A_160 = vector.broadcast %sub3A_159 : i32 to vector<8x1024xi32>
    %sub3A_161 = arith.subi %div3A_134, %sub3A_160 : vector<8x1024xi32>
    %select_n3A_162 = arith.select %and3A_158, %sub3A_161, %div3A_134 : vector<8x1024xi1>, vector<8x1024xi32>
    %iota3A_163 = tpu.iota {dimensions = array<i32: 0>} : vector<8x1024xi32>
    %eq3A_164 = arith.cmpi eq, %select_n3A_162, %iota3A_163 : vector<8x1024xi32>
    %convert_element_type3A_165 = arith.extui %eq3A_164 : vector<8x1024xi1> to vector<8x1024xi32>
    %convert_element_type3A_166 = arith.sitofp %convert_element_type3A_165 : vector<8x1024xi32> to vector<8x1024xf32>
    %iota3A_167 = tpu.iota {dimensions = array<i32: 1>} : vector<1024x128xi32>
    %eq3A_168 = vector.broadcast %select_n3A_98 : vector<1024x1xi32> to vector<1024x128xi32>
    %eq3A_169 = arith.cmpi eq, %iota3A_167, %eq3A_168 : vector<1024x128xi32>
    %convert_element_type3A_170 = arith.extui %eq3A_169 : vector<1024x128xi1> to vector<1024x128xi32>
    %convert_element_type3A_171 = arith.sitofp %convert_element_type3A_170 : vector<1024x128xi32> to vector<1024x128xf32>
    %iota3A_172 = tpu.iota {dimensions = array<i32: 0>} : vector<128x1024xi32>
    %iota3A_173 = tpu.iota {dimensions = array<i32: 1>} : vector<128x1024xi32>
    %jit3A_174 = arith.constant 128 : i32
    %eq3A_175 = arith.constant 0 : i32
    %eq3A_176 = arith.cmpi eq, %jit3A_174, %eq3A_175 : i32
    %jit3A_177 = arith.constant 1 : i32
    %select_n3A_178 = arith.select %eq3A_176, %jit3A_177, %jit3A_174 : i32
    %rem3A_179 = vector.broadcast %select_n3A_178 : i32 to vector<128x1024xi32>
    %rem3A_180 = arith.remsi %iota3A_173, %rem3A_179 : vector<128x1024xi32>
    %ne3A_181 = arith.constant 0 : i32
    %ne3A_182 = vector.broadcast %ne3A_181 : i32 to vector<128x1024xi32>
    %ne3A_183 = arith.cmpi ne, %rem3A_180, %ne3A_182 : vector<128x1024xi32>
    %lt3A_184 = arith.constant 0 : i32
    %lt3A_185 = vector.broadcast %lt3A_184 : i32 to vector<128x1024xi32>
    %lt3A_186 = arith.cmpi slt, %rem3A_180, %lt3A_185 : vector<128x1024xi32>
    %lt3A_187 = arith.constant 0 : i32
    %lt3A_188 = arith.cmpi slt, %select_n3A_178, %lt3A_187 : i32
    %ne3A_189 = vector.broadcast %lt3A_188 : i1 to vector<128x1024xi1>
    %ne3A_190 = vector.broadcast %ne3A_189 : vector<128x1024xi1> to vector<128x1024xi1>
    %ne3A_191 = arith.xori %lt3A_186, %ne3A_190 : vector<128x1024xi1>
    %and3A_192 = arith.andi %ne3A_191, %ne3A_183 : vector<128x1024xi1>
    %add3A_193 = vector.broadcast %select_n3A_178 : i32 to vector<128x1024xi32>
    %add3A_194 = arith.addi %rem3A_180, %add3A_193 : vector<128x1024xi32>
    %select_n3A_195 = arith.select %and3A_192, %add3A_194, %rem3A_180 : vector<128x1024xi1>, vector<128x1024xi32>
    %eq3A_196 = arith.cmpi eq, %iota3A_172, %select_n3A_195 : vector<128x1024xi32>
    %convert_element_type3A_197 = arith.extui %eq3A_196 : vector<128x1024xi1> to vector<128x1024xi32>
    %convert_element_type3A_198 = arith.sitofp %convert_element_type3A_197 : vector<128x1024xi32> to vector<128x1024xf32>
    %eq3A_199 = arith.cmpi eq, %select_n3A_98, %concatenate3A : vector<1024x1xi32>
    %convert_element_type3A_200 = arith.extui %eq3A_199 : vector<1024x1xi1> to vector<1024x1xi32>
    %convert_element_type3A_201 = arith.sitofp %convert_element_type3A_200 : vector<1024x1xi32> to vector<1024x1xf32>
    %get3A_202 = arith.constant 0 : index
    %get3A_203 = arith.constant 0 : index
    %get3A_204 = vector.load %arg3[%get3A_202, %get3A_203] : memref<128x16xf32, #tpu.memory_space<vmem>>, vector<128x16xf32>
    %dot_general3A_205 = arith.constant dense<0.000000e+00> : vector<1024x16xf32>
    %dot_general3A_206 = tpu.matmul %convert_element_type3A_171, %get3A_204, %dot_general3A_205 {dimension_numbers = #tpu.dot_dimension_numbers<[1], [0], [0], [1], [0, 0, 1, 1], [], []>, transpose_lhs_hint = false} : vector<1024x128xf32>, vector<128x16xf32>, vector<1024x16xf32> -> vector<1024x16xf32>
    %mul3A_207 = arith.constant 8 : i32
    %mul3A_208 = arith.muli %arg0, %mul3A_207 : i32
    %jit3A_209 = arith.constant 128 : i32
    %div3A_210 = vector.broadcast %jit3A_209 : i32 to vector<1024x1xi32>
    %div3A_211 = arith.divsi %iota3A, %div3A_210 : vector<1024x1xi32>
    %sign3A_212 = arith.constant 0 : i32
    %sign3A_213 = vector.broadcast %sign3A_212 : i32 to vector<1024x1xi32>
    %sign3A_214 = arith.cmpi sgt, %iota3A, %sign3A_213 : vector<1024x1xi32>
    %sign3A_215 = arith.extui %sign3A_214 : vector<1024x1xi1> to vector<1024x1xi32>
    %sign3A_216 = arith.constant 0 : i32
    %sign3A_217 = vector.broadcast %sign3A_216 : i32 to vector<1024x1xi32>
    %sign3A_218 = arith.cmpi slt, %iota3A, %sign3A_217 : vector<1024x1xi32>
    %sign3A_219 = arith.extui %sign3A_218 : vector<1024x1xi1> to vector<1024x1xi32>
    %sign3A_220 = arith.subi %sign3A_215, %sign3A_219 : vector<1024x1xi32>
    %sign3A_221 = arith.constant 0 : i32
    %sign3A_222 = arith.cmpi sgt, %jit3A_209, %sign3A_221 : i32
    %sign3A_223 = arith.extui %sign3A_222 : i1 to i32
    %sign3A_224 = arith.constant 0 : i32
    %sign3A_225 = arith.cmpi slt, %jit3A_209, %sign3A_224 : i32
    %sign3A_226 = arith.extui %sign3A_225 : i1 to i32
    %sign3A_227 = arith.subi %sign3A_223, %sign3A_226 : i32
    %ne3A_228 = vector.broadcast %sign3A_227 : i32 to vector<1024x1xi32>
    %ne3A_229 = arith.cmpi ne, %sign3A_220, %ne3A_228 : vector<1024x1xi32>
    %rem3A_230 = vector.broadcast %jit3A_209 : i32 to vector<1024x1xi32>
    %rem3A_231 = arith.remsi %iota3A, %rem3A_230 : vector<1024x1xi32>
    %ne3A_232 = arith.constant 0 : i32
    %ne3A_233 = vector.broadcast %ne3A_232 : i32 to vector<1024x1xi32>
    %ne3A_234 = arith.cmpi ne, %rem3A_231, %ne3A_233 : vector<1024x1xi32>
    %and3A_235 = arith.andi %ne3A_229, %ne3A_234 : vector<1024x1xi1>
    %sub3A_236 = arith.constant 1 : i32
    %sub3A_237 = vector.broadcast %sub3A_236 : i32 to vector<1024x1xi32>
    %sub3A_238 = arith.subi %div3A_211, %sub3A_237 : vector<1024x1xi32>
    %select_n3A_239 = arith.select %and3A_235, %sub3A_238, %div3A_211 : vector<1024x1xi1>, vector<1024x1xi32>
    %add3A_240 = vector.broadcast %mul3A_208 : i32 to vector<1024x1xi32>
    %add3A_241 = arith.addi %add3A_240, %select_n3A_239 : vector<1024x1xi32>
    %iota3A_242 = tpu.iota {dimensions = array<i32: 1>} : vector<1024x16xi32>
    %eq3A_243 = vector.broadcast %add3A_241 : vector<1024x1xi32> to vector<1024x16xi32>
    %eq3A_244 = arith.cmpi eq, %eq3A_243, %iota3A_242 : vector<1024x16xi32>
    %convert_element_type3A_245 = arith.extui %eq3A_244 : vector<1024x16xi1> to vector<1024x16xi32>
    %convert_element_type3A_246 = arith.sitofp %convert_element_type3A_245 : vector<1024x16xi32> to vector<1024x16xf32>
    %mul3A_247 = arith.mulf %dot_general3A_206, %convert_element_type3A_246 : vector<1024x16xf32>
    %reduce_sum3A = arith.constant dense<0.000000e+00> : vector<1024xf32>
    %reduce_sum3A_248 = vector.multi_reduction <add>, %mul3A_247, %reduce_sum3A [1] : vector<1024x16xf32> to vector<1024xf32>
    %broadcast_in_dim3A_249 = vector.shape_cast %reduce_sum3A_248 : vector<1024xf32> to vector<1024x1xf32>
    %gt3A = arith.constant 0.000000e+00 : f32
    %gt3A_250 = vector.broadcast %gt3A : f32 to vector<1024x1xf32>
    %gt3A_251 = arith.cmpf ogt, %broadcast_in_dim3A_249, %gt3A_250 : vector<1024x1xf32>
    %or3A = arith.ori %gt3A_251, %eq3A_199 : vector<1024x1xi1>
    %mul3A_252 = vector.broadcast %convert_element_type3A_201 : vector<1024x1xf32> to vector<1024x128xf32>
    %mul3A_253 = arith.mulf %max3A_11, %mul3A_252 : vector<1024x128xf32>
    %dot_general3A_254 = arith.constant dense<0.000000e+00> : vector<8x128xf32>
    %dot_general3A_255 = tpu.matmul %convert_element_type3A_166, %mul3A_253, %dot_general3A_254 {dimension_numbers = #tpu.dot_dimension_numbers<[1], [0], [0], [1], [0, 0, 1, 1], [], []>, transpose_lhs_hint = false} : vector<8x1024xf32>, vector<1024x128xf32>, vector<8x128xf32> -> vector<8x128xf32>
    %get3A_256 = arith.constant 0 : index
    %get3A_257 = arith.constant 0 : index
    %get3A_258 = vector.load %arg8[%get3A_256, %get3A_257] : memref<128x256xf32, #tpu.memory_space<vmem>>, vector<128x256xf32>
    %dot_general3A_259 = arith.constant dense<0.000000e+00> : vector<8x256xf32>
    %dot_general3A_260 = tpu.matmul %dot_general3A_255, %get3A_258, %dot_general3A_259 {dimension_numbers = #tpu.dot_dimension_numbers<[1], [0], [0], [1], [0, 0, 1, 1], [], []>, transpose_lhs_hint = false} : vector<8x128xf32>, vector<128x256xf32>, vector<8x256xf32> -> vector<8x256xf32>
    %get3A_261 = arith.constant 0 : index
    %get3A_262 = arith.constant 0 : index
    %get3A_263 = vector.load %arg9[%get3A_261, %get3A_262] : memref<1x256xf32, #tpu.memory_space<vmem>>, vector<1x256xf32>
    %add3A_264 = vector.broadcast %get3A_263 : vector<1x256xf32> to vector<8x256xf32>
    %add3A_265 = arith.addf %dot_general3A_260, %add3A_264 : vector<8x256xf32>
    %dot_general3A_266 = arith.constant dense<0.000000e+00> : vector<1024x256xf32>
    %dot_general3A_267 = tpu.matmul %convert_element_type3A_130, %add3A_265, %dot_general3A_266 {dimension_numbers = #tpu.dot_dimension_numbers<[1], [0], [0], [1], [0, 0, 1, 1], [], []>, transpose_lhs_hint = false} : vector<1024x8xf32>, vector<8x256xf32>, vector<1024x256xf32> -> vector<1024x256xf32>
    %add3A_268 = arith.addf %add3A_21, %dot_general3A_267 : vector<1024x256xf32>
    %ge3A = arith.constant 0.000000e+00 : f32
    %ge3A_269 = vector.broadcast %ge3A : f32 to vector<1024x256xf32>
    %ge3A_270 = arith.cmpf oge, %add3A_268, %ge3A_269 : vector<1024x256xf32>
    %mul3A_271 = arith.constant 2.000000e-01 : f32
    %mul3A_272 = vector.broadcast %mul3A_271 : f32 to vector<1024x256xf32>
    %mul3A_273 = arith.mulf %mul3A_272, %add3A_268 : vector<1024x256xf32>
    %select_n3A_274 = arith.select %ge3A_270, %add3A_268, %mul3A_273 : vector<1024x256xi1>, vector<1024x256xf32>
    %get3A_275 = arith.constant 0 : index
    %get3A_276 = arith.constant 0 : index
    %get3A_277 = vector.load %arg10[%get3A_275, %get3A_276] : memref<256x2xf32, #tpu.memory_space<vmem>>, vector<256x2xf32>
    %dot_general3A_278 = arith.constant dense<0.000000e+00> : vector<1024x2xf32>
    %dot_general3A_279 = tpu.matmul %select_n3A_274, %get3A_277, %dot_general3A_278 {dimension_numbers = #tpu.dot_dimension_numbers<[1], [0], [0], [1], [0, 0, 1, 1], [], []>, transpose_lhs_hint = false} : vector<1024x256xf32>, vector<256x2xf32>, vector<1024x2xf32> -> vector<1024x2xf32>
    %jit3A_280 = arith.constant -1.000000e+09 : f32
    %broadcast_in_dim3A_281 = vector.shape_cast %or3A : vector<1024x1xi1> to vector<1024x1xi1>
    %broadcast_in_dim3A_282 = vector.broadcast %broadcast_in_dim3A_281 : vector<1024x1xi1> to vector<1024x2xi1>
    %broadcast_in_dim3A_283 = vector.broadcast %jit3A_280 : f32 to vector<1024x2xf32>
    %select_n3A_284 = arith.select %broadcast_in_dim3A_282, %dot_general3A_279, %broadcast_in_dim3A_283 : vector<1024x2xi1>, vector<1024x2xf32>
    %slice3A = vector.extract_strided_slice %select_n3A_284 {offsets = [0, 0], sizes = [1024, 1], strides = [1, 1]} : vector<1024x2xf32> to vector<1024x1xf32>
    %mul3A_285 = vector.broadcast %slice3A : vector<1024x1xf32> to vector<1024x8xf32>
    %mul3A_286 = arith.mulf %mul3A_285, %convert_element_type3A_130 : vector<1024x8xf32>
    %dot_general3A_287 = arith.constant dense<0.000000e+00> : vector<128x8xf32>
    %dot_general3A_288 = tpu.matmul %convert_element_type3A_198, %mul3A_286, %dot_general3A_287 {dimension_numbers = #tpu.dot_dimension_numbers<[1], [0], [0], [1], [0, 0, 1, 1], [], []>, transpose_lhs_hint = false} : vector<128x1024xf32>, vector<1024x8xf32>, vector<128x8xf32> -> vector<128x8xf32>
    %reduce_max3A = arith.constant dense<0xFF800000> : vector<8xf32>
    %reduce_max3A_289 = vector.multi_reduction <maximumf>, %dot_general3A_288, %reduce_max3A [0] : vector<128x8xf32> to vector<8xf32>
    %broadcast_in_dim3A_290 = vector.shape_cast %reduce_max3A_289 : vector<8xf32> to vector<1x8xf32>
    %sub3A_291 = vector.broadcast %broadcast_in_dim3A_290 : vector<1x8xf32> to vector<128x8xf32>
    %sub3A_292 = arith.subf %dot_general3A_288, %sub3A_291 : vector<128x8xf32>
    %exp3A = math.exp %sub3A_292 : vector<128x8xf32>
    %reduce_sum3A_293 = arith.constant dense<0.000000e+00> : vector<8xf32>
    %reduce_sum3A_294 = vector.multi_reduction <add>, %exp3A, %reduce_sum3A_293 [0] : vector<128x8xf32> to vector<8xf32>
    %broadcast_in_dim3A_295 = vector.shape_cast %reduce_sum3A_294 : vector<8xf32> to vector<1x8xf32>
    %div3A_296 = vector.broadcast %broadcast_in_dim3A_295 : vector<1x8xf32> to vector<128x8xf32>
    %div3A_297 = arith.divf %exp3A, %div3A_296 : vector<128x8xf32>
    %dot_general3A_298 = arith.constant dense<0.000000e+00> : vector<1024x8xf32>
    %dot_general3A_299 = tpu.matmul %convert_element_type3A_171, %div3A_297, %dot_general3A_298 {dimension_numbers = #tpu.dot_dimension_numbers<[1], [0], [0], [1], [0, 0, 1, 1], [], []>, transpose_lhs_hint = false} : vector<1024x128xf32>, vector<128x8xf32>, vector<1024x8xf32> -> vector<1024x8xf32>
    %mul3A_300 = arith.mulf %dot_general3A_299, %convert_element_type3A_130 : vector<1024x8xf32>
    %reduce_sum3A_301 = arith.constant dense<0.000000e+00> : vector<1024xf32>
    %reduce_sum3A_302 = vector.multi_reduction <add>, %mul3A_300, %reduce_sum3A_301 [1] : vector<1024x8xf32> to vector<1024xf32>
    %broadcast_in_dim3A_303 = vector.shape_cast %reduce_sum3A_302 : vector<1024xf32> to vector<1024x1xf32>
    %broadcast_in_dim3A_304 = vector.shape_cast %broadcast_in_dim3A_303 : vector<1024x1xf32> to vector<1024x1xf32>
    %broadcast_in_dim3A_305 = vector.broadcast %broadcast_in_dim3A_304 : vector<1024x1xf32> to vector<1024x128xf32>
    %slice3A_306 = vector.extract_strided_slice %select_n3A_284 {offsets = [0, 1], sizes = [1024, 1], strides = [1, 1]} : vector<1024x2xf32> to vector<1024x1xf32>
    %mul3A_307 = vector.broadcast %slice3A_306 : vector<1024x1xf32> to vector<1024x8xf32>
    %mul3A_308 = arith.mulf %mul3A_307, %convert_element_type3A_130 : vector<1024x8xf32>
    %dot_general3A_309 = arith.constant dense<0.000000e+00> : vector<128x8xf32>
    %dot_general3A_310 = tpu.matmul %convert_element_type3A_198, %mul3A_308, %dot_general3A_309 {dimension_numbers = #tpu.dot_dimension_numbers<[1], [0], [0], [1], [0, 0, 1, 1], [], []>, transpose_lhs_hint = false} : vector<128x1024xf32>, vector<1024x8xf32>, vector<128x8xf32> -> vector<128x8xf32>
    %reduce_max3A_311 = arith.constant dense<0xFF800000> : vector<8xf32>
    %reduce_max3A_312 = vector.multi_reduction <maximumf>, %dot_general3A_310, %reduce_max3A_311 [0] : vector<128x8xf32> to vector<8xf32>
    %broadcast_in_dim3A_313 = vector.shape_cast %reduce_max3A_312 : vector<8xf32> to vector<1x8xf32>
    %sub3A_314 = vector.broadcast %broadcast_in_dim3A_313 : vector<1x8xf32> to vector<128x8xf32>
    %sub3A_315 = arith.subf %dot_general3A_310, %sub3A_314 : vector<128x8xf32>
    %exp3A_316 = math.exp %sub3A_315 : vector<128x8xf32>
    %reduce_sum3A_317 = arith.constant dense<0.000000e+00> : vector<8xf32>
    %reduce_sum3A_318 = vector.multi_reduction <add>, %exp3A_316, %reduce_sum3A_317 [0] : vector<128x8xf32> to vector<8xf32>
    %broadcast_in_dim3A_319 = vector.shape_cast %reduce_sum3A_318 : vector<8xf32> to vector<1x8xf32>
    %div3A_320 = vector.broadcast %broadcast_in_dim3A_319 : vector<1x8xf32> to vector<128x8xf32>
    %div3A_321 = arith.divf %exp3A_316, %div3A_320 : vector<128x8xf32>
    %dot_general3A_322 = arith.constant dense<0.000000e+00> : vector<1024x8xf32>
    %dot_general3A_323 = tpu.matmul %convert_element_type3A_171, %div3A_321, %dot_general3A_322 {dimension_numbers = #tpu.dot_dimension_numbers<[1], [0], [0], [1], [0, 0, 1, 1], [], []>, transpose_lhs_hint = false} : vector<1024x128xf32>, vector<128x8xf32>, vector<1024x8xf32> -> vector<1024x8xf32>
    %mul3A_324 = arith.mulf %dot_general3A_323, %convert_element_type3A_130 : vector<1024x8xf32>
    %reduce_sum3A_325 = arith.constant dense<0.000000e+00> : vector<1024xf32>
    %reduce_sum3A_326 = vector.multi_reduction <add>, %mul3A_324, %reduce_sum3A_325 [1] : vector<1024x8xf32> to vector<1024xf32>
    %broadcast_in_dim3A_327 = vector.shape_cast %reduce_sum3A_326 : vector<1024xf32> to vector<1024x1xf32>
    %broadcast_in_dim3A_328 = vector.shape_cast %broadcast_in_dim3A_327 : vector<1024x1xf32> to vector<1024x1xf32>
    %broadcast_in_dim3A_329 = vector.broadcast %broadcast_in_dim3A_328 : vector<1024x1xf32> to vector<1024x128xf32>
    %concatenate3A_330 = tpu.concatenate %broadcast_in_dim3A_305, %broadcast_in_dim3A_329 in 1 : vector<1024x128xf32>, vector<1024x128xf32> -> vector<1024x256xf32>
    %mul3A_331 = arith.mulf %concatenate3A_330, %add3A_21 : vector<1024x256xf32>
    %dot_general3A_332 = arith.constant dense<0.000000e+00> : vector<8x256xf32>
    %dot_general3A_333 = tpu.matmul %convert_element_type3A_166, %mul3A_331, %dot_general3A_332 {dimension_numbers = #tpu.dot_dimension_numbers<[1], [0], [0], [1], [0, 0, 1, 1], [], []>, transpose_lhs_hint = false} : vector<8x1024xf32>, vector<1024x256xf32>, vector<8x256xf32> -> vector<8x256xf32>
    %slice3A_334 = vector.extract_strided_slice %dot_general3A_333 {offsets = [0, 0], sizes = [8, 128], strides = [1, 1]} : vector<8x256xf32> to vector<8x128xf32>
    %slice3A_335 = vector.extract_strided_slice %dot_general3A_333 {offsets = [0, 128], sizes = [8, 128], strides = [1, 1]} : vector<8x256xf32> to vector<8x128xf32>
    %add3A_336 = arith.addf %slice3A_334, %slice3A_335 : vector<8x128xf32>
    %mul3A_337 = arith.constant 5.000000e-01 : f32
    %mul3A_338 = vector.broadcast %mul3A_337 : f32 to vector<8x128xf32>
    %mul3A_339 = arith.mulf %add3A_336, %mul3A_338 : vector<8x128xf32>
    %get3A_340 = arith.constant 0 : index
    %get3A_341 = arith.constant 0 : index
    %get3A_342 = vector.load %arg11[%get3A_340, %get3A_341] : memref<1x128xf32, #tpu.memory_space<vmem>>, vector<1x128xf32>
    %add3A_343 = vector.broadcast %get3A_342 : vector<1x128xf32> to vector<8x128xf32>
    %add3A_344 = arith.addf %mul3A_339, %add3A_343 : vector<8x128xf32>
    %concatenate3A_345 = tpu.concatenate %dot_general3A_255, %add3A_344 in 1 : vector<8x128xf32>, vector<8x128xf32> -> vector<8x256xf32>
    %get3A_346 = arith.constant 0 : index
    %get3A_347 = arith.constant 0 : index
    %get3A_348 = vector.load %arg12[%get3A_346, %get3A_347] : memref<256x6xf32, #tpu.memory_space<vmem>>, vector<256x6xf32>
    %dot_general3A_349 = arith.constant dense<0.000000e+00> : vector<8x6xf32>
    %dot_general3A_350 = tpu.matmul %concatenate3A_345, %get3A_348, %dot_general3A_349 {dimension_numbers = #tpu.dot_dimension_numbers<[1], [0], [0], [1], [0, 0, 1, 1], [], []>, transpose_lhs_hint = false} : vector<8x256xf32>, vector<256x6xf32>, vector<8x6xf32> -> vector<8x6xf32>
    %get3A_351 = arith.constant 0 : index
    %get3A_352 = arith.constant 0 : index
    %get3A_353 = vector.load %arg13[%get3A_351, %get3A_352] : memref<1x6xf32, #tpu.memory_space<vmem>>, vector<1x6xf32>
    %add3A_354 = vector.broadcast %get3A_353 : vector<1x6xf32> to vector<8x6xf32>
    %add3A_355 = arith.addf %dot_general3A_350, %add3A_354 : vector<8x6xf32>
    %swap3A = arith.constant 0 : index
    %swap3A_356 = arith.constant 0 : index
    %swap3A_357 = arith.constant 0 : index
    %swap3A_358 = vector.load %arg16[%swap3A, %swap3A_356, %swap3A_357] : memref<8x1x6xf32, #tpu.memory_space<vmem>>, vector<8x1x6xf32>
    %swap3A_359 = vector.shape_cast %swap3A_358 : vector<8x1x6xf32> to vector<8x6xf32>
    %swap3A_360 = vector.shape_cast %add3A_355 : vector<8x6xf32> to vector<8x1x6xf32>
    tpu.vector_store %arg16[%swap3A, %swap3A_356, %swap3A_357], %swap3A_360 {strides = array<i32>} : memref<8x1x6xf32, #tpu.memory_space<vmem>>, vector<8x1x6xf32>,
    %get3A_361 = arith.constant 0 : index
    %get3A_362 = arith.constant 0 : index
    %get3A_363 = vector.load %arg14[%get3A_361, %get3A_362] : memref<256x1xf32, #tpu.memory_space<vmem>>, vector<256x1xf32>
    %dot_general3A_364 = arith.constant dense<0.000000e+00> : vector<8x1xf32>
    %dot_general3A_365 = tpu.matmul %concatenate3A_345, %get3A_363, %dot_general3A_364 {dimension_numbers = #tpu.dot_dimension_numbers<[1], [0], [0], [1], [0, 0, 1, 1], [], []>, transpose_lhs_hint = false} : vector<8x256xf32>, vector<256x1xf32>, vector<8x1xf32> -> vector<8x1xf32>
    %get3A_366 = arith.constant 0 : index
    %get3A_367 = arith.constant 0 : index
    %get3A_368 = vector.load %arg15[%get3A_366, %get3A_367] : memref<1x1xf32, #tpu.memory_space<vmem>>, vector<1x1xf32>
    %add3A_369 = vector.broadcast %get3A_368 : vector<1x1xf32> to vector<8x1xf32>
    %add3A_370 = arith.addf %dot_general3A_365, %add3A_369 : vector<8x1xf32>
    %swap3A_371 = arith.constant 0 : index
    %swap3A_372 = arith.constant 0 : index
    %swap3A_373 = arith.constant 0 : index
    %swap3A_374 = vector.load %arg17[%swap3A_371, %swap3A_372, %swap3A_373] : memref<8x1x1xf32, #tpu.memory_space<vmem>>, vector<8x1x1xf32>
    %swap3A_375 = vector.shape_cast %swap3A_374 : vector<8x1x1xf32> to vector<8x1xf32>
    %swap3A_376 = vector.shape_cast %add3A_370 : vector<8x1xf32> to vector<8x1x1xf32>
    tpu.vector_store %arg17[%swap3A_371, %swap3A_372, %swap3A_373], %swap3A_376 {strides = array<i32>} : memref<8x1x1xf32, #tpu.memory_space<vmem>>, vector<8x1x1xf32>,
    return
  }
  func.func @transform_0(%arg0: i32) -> (i32, i32) {
    %c0_i32 = arith.constant 0 : i32
    %c0_i32_0 = arith.constant 0 : i32
    %c0_i32_1 = arith.constant 0 : i32
    return %c0_i32, %c0_i32_0 : i32, i32
  }
  func.func @transform_1(%arg0: i32) -> (i32, i32) {
    %c0_i32 = arith.constant 0 : i32
    %c0_i32_0 = arith.constant 0 : i32
    return %arg0, %c0_i32 : i32, i32
  }
  func.func @transform_2(%arg0: i32) -> (i32, i32) {
    %c0_i32 = arith.constant 0 : i32
    %c0_i32_0 = arith.constant 0 : i32
    %c0_i32_1 = arith.constant 0 : i32
    return %c0_i32, %c0_i32_0 : i32, i32
  }
  func.func @transform_3(%arg0: i32) -> (i32, i32) {
    %c0_i32 = arith.constant 0 : i32
    %c0_i32_0 = arith.constant 0 : i32
    %c0_i32_1 = arith.constant 0 : i32
    return %c0_i32, %c0_i32_0 : i32, i32
  }
  func.func @transform_4(%arg0: i32) -> (i32, i32) {
    %c0_i32 = arith.constant 0 : i32
    %c0_i32_0 = arith.constant 0 : i32
    %c0_i32_1 = arith.constant 0 : i32
    return %c0_i32, %c0_i32_0 : i32, i32
  }
  func.func @transform_5(%arg0: i32) -> (i32, i32) {
    %c0_i32 = arith.constant 0 : i32
    %c0_i32_0 = arith.constant 0 : i32
    %c0_i32_1 = arith.constant 0 : i32
    return %c0_i32, %c0_i32_0 : i32, i32
  }
  func.func @transform_6(%arg0: i32) -> (i32, i32) {
    %c0_i32 = arith.constant 0 : i32
    %c0_i32_0 = arith.constant 0 : i32
    %c0_i32_1 = arith.constant 0 : i32
    return %c0_i32, %c0_i32_0 : i32, i32
  }
  func.func @transform_7(%arg0: i32) -> (i32, i32) {
    %c0_i32 = arith.constant 0 : i32
    %c0_i32_0 = arith.constant 0 : i32
    %c0_i32_1 = arith.constant 0 : i32
    return %c0_i32, %c0_i32_0 : i32, i32
  }
  func.func @transform_8(%arg0: i32) -> (i32, i32) {
    %c0_i32 = arith.constant 0 : i32
    %c0_i32_0 = arith.constant 0 : i32
    %c0_i32_1 = arith.constant 0 : i32
    return %c0_i32, %c0_i32_0 : i32, i32
  }
  func.func @transform_9(%arg0: i32) -> (i32, i32) {
    %c0_i32 = arith.constant 0 : i32
    %c0_i32_0 = arith.constant 0 : i32
    %c0_i32_1 = arith.constant 0 : i32
    return %c0_i32, %c0_i32_0 : i32, i32
  }
  func.func @transform_10(%arg0: i32) -> (i32, i32) {
    %c0_i32 = arith.constant 0 : i32
    %c0_i32_0 = arith.constant 0 : i32
    %c0_i32_1 = arith.constant 0 : i32
    return %c0_i32, %c0_i32_0 : i32, i32
  }
  func.func @transform_11(%arg0: i32) -> (i32, i32) {
    %c0_i32 = arith.constant 0 : i32
    %c0_i32_0 = arith.constant 0 : i32
    %c0_i32_1 = arith.constant 0 : i32
    return %c0_i32, %c0_i32_0 : i32, i32
  }
  func.func @transform_12(%arg0: i32) -> (i32, i32) {
    %c0_i32 = arith.constant 0 : i32
    %c0_i32_0 = arith.constant 0 : i32
    %c0_i32_1 = arith.constant 0 : i32
    return %c0_i32, %c0_i32_0 : i32, i32
  }
  func.func @transform_13(%arg0: i32) -> (i32, i32) {
    %c0_i32 = arith.constant 0 : i32
    %c0_i32_0 = arith.constant 0 : i32
    %c0_i32_1 = arith.constant 0 : i32
    return %c0_i32, %c0_i32_0 : i32, i32
  }
  func.func @transform_14(%arg0: i32) -> (i32, i32) {
    %c0_i32 = arith.constant 0 : i32
    %c0_i32_0 = arith.constant 0 : i32
    %c0_i32_1 = arith.constant 0 : i32
    return %c0_i32, %c0_i32_0 : i32, i32
  }
  func.func @transform_15(%arg0: i32) -> (i32, i32, i32) {
    %c0_i32 = arith.constant 0 : i32
    %c0_i32_0 = arith.constant 0 : i32
    %c0_i32_1 = arith.constant 0 : i32
    return %arg0, %c0_i32, %c0_i32_0 : i32, i32, i32
  }
  func.func @transform_16(%arg0: i32) -> (i32, i32, i32) {
    %c0_i32 = arith.constant 0 : i32
    %c0_i32_0 = arith.constant 0 : i32
    %c0_i32_1 = arith.constant 0 : i32
    return %arg0, %c0_i32, %c0_i32_0 : i32, i32, i32
  }
}

</mosaic_0001>

<sc_bundles>
// kernel: kernel.4.cloned.1.call-start
scs
__scs_entry_jumppad:
0x0: {  	(pc) =	sbr.rel $0x88, $3  }
0x1: {  	(tag) =	ssettag $0x0;
	lr =	simm.s32 $0x1  }
0x2: {  	[smem:$0x3F92] =	sst lr;
	_ =	strace $0xD0000000  }
0x3: {  	_ = 	snop  }
0x4: {  	_ = 	snop  }
0x5: {  	_ = 	snop  }
0x6: {  	_ = 	snop  }
0x7: {  	_ = 	snop  }
__scs_overlays_trampoline_lowered:
0x8: {  	[smem:$0x3FA1] =	sst s0  }
0x9: {  	[smem:$0x3FA2] =	sst s1  }
0xa: {  	[smem:$0x3FA3] =	sst s2  }
0xb: {  	[smem:$0x3FA4] =	sst s3  }
0xc: {  	[smem:$0x3FA5] =	sst s4  }
0xd: {  	[smem:$0x3FA6] =	sst s5  }
0xe: {  	[smem:$0x3FA7] =	sst s6  }
0xf: {  	[smem:$0x3FA8] =	sst s7  }
0x10: {  	[smem:$0x3FA9] =	sst s8  }
0x11: {  	[smem:$0x3FAA] =	sst s9;
	s0 =	simm.s32 @!p0 $0x0  }
0x12: {  	s1 =	sld [smem:$0x3F90];
	s0 =	simm.s32 @p0 $0x1  }
0x13: {  	[smem:$0x3FAB] =	sst s0;
	s0 =	simm.s32 @!p1 $0x0  }
0x14: {  	s2 =	sld [smem:$0x3F8F];
	s0 =	simm.s32 @p1 $0x1  }
0x15: {  	[smem:$0x3FAC] =	sst s0;
	s0 =	simm.s32 @!p2 $0x0  }
0x16: {  	s3 =	sld [smem:$0x3FDB];
	s0 =	simm.s32 @p2 $0x1  }
0x17: {  	s4 =	simm.s32 $0x1BF5;
	[smem:$0x3FAE] =	sst s0  }
0x18: {  	s0 =	sld [smem:$0x3F91];
	_ =	swait.ge [sflag:s4], $0x0  }
0x19: {  	s7 =	sld [smem:$0x3F92]  }
0x1a: {  	s8 =	sadd.s32 $0xFFFFE003, lr  }
0x1b: {  	s9 =	sadd.s32 $0xFFFFFEF7, lr;
	s5 =	simm.s32 $0xFFFFFFFF;
	p2 =	slt.u32 s8, $0xFFFFF086  }
0x1c: {  	p1 =	slt.u32 s9, $0xF7A;
	s5 =	simm.s32 @!p2 $0x0  }
0x1d: {  	s5 =	simm.s32 @p1 $0x1;
	p0 =	seq.s32 s7, s2  }
0x1e: {  	s7 =	smul.u32 @!p0 $0xF7A, s2;
	p2 =	seq.s32 @!p0 s5, $0x0  }
0x1f: {  	s9 =	smul.u32 $0xF7A, s1;
	s8 =	simm.s32 @!p0 $0x1BF5;
	p2 =	por !p2, p0  }
0x20: {  	[sflag:s8] =	ssyncset.s32 @!p0 $0xFFFFF086;
	s6 =	sadd.s32 @!p0 s3, s7;
	s7 =	simm.s32 @!p0 $0x108  }
0x21: {  	s3 =	sadd.s32 s3, s9;
	s6 =	sadd.s32 @!p0 $0x88, s6;
	s7 =	simm.s32 @p2 $0x1082  }
0x22: {  	[simem:s7], [sflag:s8] =	dma.local @!p0 [hbm:s6], $0xF7A  }
0x23: {  	s9 =	sor.u32 $0xD0000000, s2;
	s6 =	simm.s32 $0x108;
	_ =	swait.ge @!p0 [sflag:s8], $0x0  }
0x24: {  	s3 =	sadd.s32 $0x88, s3;
	s6 =	simm.s32 @!p1 $0x1082;
	[sflag:s4] =	ssyncset.s32 $0xFFFFF086  }
0x25: {  	[simem:s6], [sflag:s4] =	dma.local [hbm:s3], $0xF7A  }
0x26: {  	[smem:$0x3F92] =	sst s1;
	(tag) =	ssettag s2;
	_ =	strace s9  }
0x27: {  	s1 =	sld [smem:$0x3FA2]  }
0x28: {  	s2 =	sld [smem:$0x3FA3]  }
0x29: {  	s4 =	sld [smem:$0x3FA5]  }
0x2a: {  	p0 =	seq.s32 s5, $0x0;
	s5 =	sld [smem:$0x3FA6]  }
0x2b: {  	s6 =	sld [smem:$0x3FA7]  }
0x2c: {  	s7 =	sld [smem:$0x3FA8]  }
0x2d: {  	s3 =	simm.s32 $0x108;
	s8 =	sld [smem:$0x3FA9]  }
0x2e: {  	s3 =	simm.s32 @!p0 $0x1082;
	s9 =	sld [smem:$0x3FAA]  }
0x2f: {  	lr =	sadd.s32 s0, s3;
	s0 =	sld [smem:$0x3FA1]  }
0x30: {  	s3 =	sld [smem:$0x3FA4]  }
0x31: {  	[smem:$0x3FAD] =	sst s10  }
0x32: {  	s10 =	sld [smem:$0x3FAB];
	_ =	sdelay $0x3  }
0x33: {  	p0 =	seq.s32 s10, $0x1;
	s10 =	sld [smem:$0x3FAD];
	_ =	sdelay $0x3  }
0x34: {  	[smem:$0x3FAD] =	sst s10  }
0x35: {  	s10 =	sld [smem:$0x3FAC];
	_ =	sdelay $0x3  }
0x36: {  	p1 =	seq.s32 s10, $0x1;
	s10 =	sld [smem:$0x3FAD];
	_ =	sdelay $0x3  }
0x37: {  	[smem:$0x3FAD] =	sst s10  }
0x38: {  	s10 =	sld [smem:$0x3FAE]  }
0x39: {  	_ = 	snop;
	(pc) =	sbr.ind lr, $3  }
0x3a: {  	_ = 	snop  }
0x3b: {  	_ = 	snop  }
0x3c: {  	p2 =	seq.s32 s10, $0x1;
	s10 =	sld [smem:$0x3FAD]  }
0x3d: {  	_ =	shalt  }
0x3e: {  	_ =	shalt  }
0x3f: {  	_ =	shalt  }
0x40: {  	_ =	shalt  }
0x41: {  	_ =	shalt  }
0x42: {  	_ =	shalt  }
0x43: {  	_ =	shalt  }
0x44: {  	_ =	shalt  }
0x45: {  	_ =	shalt  }
0x46: {  	_ =	shalt  }
0x47: {  	_ =	shalt  }
0x48: {  	_ =	shalt  }
0x49: {  	_ =	shalt  }
0x4a: {  	_ =	shalt  }
0x4b: {  	_ =	shalt  }
0x4c: {  	_ =	shalt  }
0x4d: {  	_ =	shalt  }
0x4e: {  	_ =	shalt  }
0x4f: {  	_ =	shalt  }
0x50: {  	_ =	shalt  }
0x51: {  	_ =	shalt  }
0x52: {  	_ =	shalt  }
0x53: {  	_ =	shalt  }
0x54: {  	_ =	shalt  }
0x55: {  	_ =	shalt  }
0x56: {  	_ =	shalt  }
0x57: {  	_ =	shalt  }
0x58: {  	_ =	shalt  }
0x59: {  	_ =	shalt  }
0x5a: {  	_ =	shalt  }
0x5b: {  	_ =	shalt  }
0x5c: {  	_ =	shalt  }
0x5d: {  	_ =	shalt  }
0x5e: {  	_ =	shalt  }
0x5f: {  	_ =	shalt  }
0x60: {  	_ =	shalt  }
0x61: {  	_ =	shalt  }
0x62: {  	_ =	shalt  }
0x63: {  	_ =	shalt  }
0x64: {  	_ =	shalt  }
0x65: {  	_ =	shalt  }
0x66: {  	_ =	shalt  }
0x67: {  	_ =	shalt  }
0x68: {  	_ =	shalt  }
0x69: {  	_ =	shalt  }
0x6a: {  	_ =	shalt  }
0x6b: {  	_ =	shalt  }
0x6c: {  	_ =	shalt  }
0x6d: {  	_ =	shalt  }
0x6e: {  	_ =	shalt  }
0x6f: {  	_ =	shalt  }
0x70: {  	_ =	shalt  }
0x71: {  	_ =	shalt  }
0x72: {  	_ =	shalt  }
0x73: {  	_ =	shalt  }
0x74: {  	_ =	shalt  }
0x75: {  	_ =	shalt  }
0x76: {  	_ =	shalt  }
0x77: {  	_ =	shalt  }
0x78: {  	_ =	shalt  }
0x79: {  	_ =	shalt  }
0x7a: {  	_ =	shalt  }
0x7b: {  	_ =	shalt  }
0x7c: {  	_ =	shalt  }
0x7d: {  	_ =	shalt  }
0x7e: {  	_ =	shalt  }
0x7f: {  	_ =	shalt  }
0x80: {  	_ =	shalt  }
0x81: {  	_ =	shalt  }
0x82: {  	_ =	shalt  }
0x83: {  	_ =	shalt  }
0x84: {  	_ =	shalt  }
0x85: {  	_ =	shalt  }
0x86: {  	_ =	shalt  }
0x87: {  	_ =	shalt  }
.Lfunc_end0:
.L_simem_size_0:
called_computation_lowered:
.L_overlay_start_0:
0x88: {  	s2 =	sld [smem:$0x3FD9]  }
0x89: {  	s3 =	sld [smem:$0x3FFE];
	_ =	sdelay $0x1  }
0x8a: {  	s1 =	srdreg.scid  }
0x8b: {  	s0 =	sand.u32 $0x1, s1  }
0x8c: {  	s17 =	sshll.u32 s0, $0xA;
	s2 =	sadd.s32 s3, s2  }
0x8d: {  	s2 =	sadd.s32 s2, s17  }
0x8e: {  	[smem:$0x3FB9] =	sst s2  }
0x8f: {  	_ = 	snop  }
0x90: {  	s2 =	sld [smem:$0x3FC8]  }
0x91: {  	s18 =	sld [smem:$0x3FC7];
	(tm) =	ssettm $0x1  }
0x92: {  	s4 =	sld [smem:$0x3FFB];
	_ =	sdelay $0x3  }
0x93: {  	_ =	strace s4  }
0x94: {  	s4 =	sld [smem:$0x3FFC];
	_ =	sdelay $0x3  }
0x95: {  	_ =	strace s4  }
0x96: {  	s4 =	sld [smem:$0x3FFD];
	_ =	sdelay $0x3  }
0x97: {  	_ =	strace s4  }
0x98: {  	_ =	strace $0x8FFFFFFF  }
0x99: {  	s19 =	sld [smem:$0x3FDB];
	_ =	sdelay $0x1  }
0x9a: {  	s5 =	simm.s32 $_scs_section_size  }
0x9b: {  	s6 =	simm.s32 $_size__tile_overlayer_lowered;
	s7 =	simm.s32 $_tile_overlayer_lowered  }
0x9c: {  	s22 =	simm.s32 $0x1BFF;
	s21 =	sshll.u32 s7, $0x1;
	s4 =	sadd.s32 s5, s19  }
0x9d: {  	s8 =	simm.s32 $0x0;
	s20 =	sshll.u32 s6, $0x1;
	s6 =	sadd.s32 s21, s4  }
0x9e: {  	[timem:s8], [sflag:s22] =	dma.local [hbm:s6], s20  }
0x9f: {  	_ =	swait.ge [sflag:s22], s20  }
0xa0: {  	s5 =	ssub.s32 $0x0, s20;
	[sflag:s22] =	ssyncset.done $0x0  }
0xa1: {  	[sflag:s22] =	ssyncadd.s32 s5;
	_ =	sdelay $0x1  }
0xa2: {  	s23 =	simm.s32 $0x1B8B  }
0xa3: {  	_ =	swait.ge [sflag:s23], $0x1  }
0xa4: {  	[sflag:s23] =	ssyncset.done $0x0  }
0xa5: {  	s25 =	simm.s32 $0x1B8E;
	s24 =	sld [smem:$0x3FFE];
	[sflag:s23] =	ssyncadd.s32 $0xFFFFFFFF  }
0xa6: {  	s26 =	simm.s32 $execute0_lowered;
	[smem:$0x3FD2] =	sst s25  }
0xa7: {  	s6 =	sshll.u32 s26, $0x1;
	_ =	strace $0x80000046;
	[dreg:$0x1] =	wrdreg $0xFFFFFFFF  }
0xa8: {  	s28 =	simm.s32 $_size_execute0_lowered;
	s4 =	sadd.s32 s4, s6;
	[dreg:$0x0] =	wrdreg $0x0  }
0xa9: {  	s6 =	sshll.u32 s28, $0x1;
	[dreg:$0x2] =	wrdreg s4  }
0xaa: {  	[dreg:$0x3] =	wrdreg s6  }
0xab: {  	[dreg:$0x4] =	wrdreg $0xC0  }
0xac: {  	_ =	task [dreg:s8], $0x5FFFF  }
0xad: {  	[dreg:$0x1] =	wrdreg $0xFFFFFFFF  }
0xae: {  	[dreg:$0x0] =	wrdreg $0x60  }
0xaf: {  	[dreg:$0x2] =	wrdreg s2  }
0xb0: {  	[dreg:$0x3] =	wrdreg s18  }
0xb1: {  	[dreg:$0x4] =	wrdreg s24  }
0xb2: {  	[dreg:$0x5] =	wrdreg $0x9  }
0xb3: {  	_ =	task.clear_ibuf [dreg:s8], $0x6FFFF;
	_ =	strace $0x90000046  }
0xb4: {  	s29 =	simm.s32 $0x9;
	_ =	strace $0x80000048  }
0xb5: {  	_ =	swait.ge [sflag:s29], $0x1  }
0xb6: {  	[sflag:s29] =	ssyncadd.s32 $0xFFFFFFFF  }
0xb7: {  	_ =	strace $0x90000048  }
0xb8: {  	_ =	sfence  }
0xb9: {  	s30 =	sld [smem:$0x0];
	_ =	sdelay $0x2  }
0xba: {  	s31 =	sshll.u32 s1, $0xD;
	s1 =	sshrl.u32 s1, $0x2  }
0xbb: {  	s3 =	sand.u32 $0x4000, s31;
	s1 =	sadd.s32 s1, s30  }
0xbc: {  	s0 =	sor.u32 s3, s0;
	s1 =	sshll.u32 s1, $0x11  }
0xbd: {  	s0 =	sor.u32 s1, s0  }
0xbe: {  	s0 =	sadd.s32 $0x8F2B, s0  }
0xbf: {  	[sflag:s0] =	ssyncadd.remote.s32 $0x1  }
0xc0: {  	_ =	sfence.sel $0xFFFF  }
0xc1: {  	[dreg:$0x0] =	wrdreg $0xFFFFFFFF;
	(pc) =	sbr.abs _section_cstart, $3  }
0xc2: {  	[dreg:$0x1] =	wrdreg $0xFFFFFFFF  }
0xc3: {  	_ =	task.clear_ibuf [dreg:s8], $0x2FFFF;
	_ =	strace $0x9FFFFFFF  }
0xc4: {  	(tm) =	ssettm $0x7FFFFFFF  }
0xc5: {  	_ =	shalt  }
tec
execute0_lowered:
.L_overlay_start_1:
0x0: {  	(tag) =	ssettag $0x1  }
0x1: {  	s1 =	srdreg.scid;
	s0 =	stileid.u32  }
0x2: {  	s6 =	sand.u32 $0x1, s1;
	s26 =	sshll.u32 s0, $0x1  }
0x3: {  	s7 =	sor.u32 s6, s26  }
0x4: {  	p1 =	seq.s32 s6, $0x1;
	p0 =	seq.s32 s7, $0x0  }
0x5: {  	p0 =	por !p0, !p1  }
0x6: {  	s1 =	simm.s32 $0x1;
	p0 =	por !p0, !p0  }
0x7: {  	s1 =	simm.s32 @!p0 $0x0  }
0x8: {  	s8 =	ssub.s32 s0, s1  }
0x9: {  	s2 =	rddreg [dreg:$0x0];
	v0 =	vmov s8  }
0xa: {  	s3 =	rddreg [dreg:$0x1]  }
0xb: {  	s9 =	rddreg [dreg:$0x2];
	s4 =	simm.s32 $0x0  }
0xc: {  	[smem:$0x7FF] =	sst s4  }
0xd: {  	s5 =	simm.s32 $0x1;
	vm0 =	vmmov $0xffff;
	s1 =	rddreg [dreg:$0x3];
	_ =	strace $0x80000047  }
0xe: {  	[tilespmem:s4], [sflag:$0x1] =	stream.indirect_vreg.gather [hbm4b:s3+s4], $0x1, v0, vm0, $0xb8;
	[tilespmem:$0x180] =	vst v63  }
0xf: {  	_ =	swait.ge [sflag:s5], $0x10  }
0x10: {  	s10 =	sshll.u32 s6, $0x6;
	[sflag:s5] =	ssyncset.done $0x0  }
0x11: {  	v2 =	vlaneseq.u32;
	v1 =	vmov s10;
	s11 =	sor.u32 $0x20, s10;
	s8 =	sshll.u32 s8, $0x7;
	[sflag:s5] =	ssyncadd.s32 $0xFFFFFFF0  }
0x12: {  	v7 =	vmul.u32 $0x80, v2;
	s28 =	sor.u32 $0x30, s10;
	v3 =	vmov s11;
	v1 =	vor.u32 s8, v1;
	v5 =	vld [tilespmem:$0x0]  }
0x13: {  	s10 =	sor.u32 $0x10, s10;
	v4 =	vmov s28;
	v3 =	vor.u32 s8, v3;
	v1 =	vbroadcast v1, $0x0  }
0x14: {  	v6 =	vmov s10;
	v4 =	vor.u32 s8, v4;
	v3 =	vbroadcast v3, $0x0  }
0x15: {  	v4 =	vbroadcast v4, $0x0;
	v1 =	vor.u32 v2, v1;
	v2 =	vor.u32 s8, v6  }
0x16: {  	s6 =	ssub.s32 $0x2, s6;
	v1 =	vshll.u32 v1, $0x7;
	v6 =	vbroadcast v2, $0x0;
	v2 =	vshll.u32 v3, $0x7  }
0x17: {  	s29 =	sshrl.u32 s6, $0x1;
	v3 =	vshll.u32 v4, $0x7;
	v2 =	vor.u32 v7, v2;
	v4 =	vadd.s32 v1, v5  }
0x18: {  	s31 =	ssub.s32 s6, s29;
	v3 =	vor.u32 v7, v3;
	v6 =	vshll.u32 v6, $0x7;
	v8 =	vadd.s32 v2, v5;
	[tilespmem:$0x80] =	vst v4  }
0x19: {  	s11 =	smax.u32 s31, $0x1;
	v4 =	vor.u32 v7, v6;
	v6 =	vadd.s32 v3, v5;
	[tilespmem:$0xA0] =	vst v8  }
0x1a: {  	s30 =	sshll.u32 s7, $0x3;
	s7 =	simm.s32 $0x100;
	p0 =	sne.s32 s11, $0x1;
	v5 =	vadd.s32 v4, v5;
	[tilespmem:$0xB0] =	vst v6  }
.Ltmp0:
0x1b: {  	s6 =	simm.s32 $0x40;
	s8 =	simm.s32 $0x80;
	[tilespmem:$0x90] =	vst v5;
	(pc) =	sbr.rel @!p0 .LBB2_2-.Ltmp0, $4  }
0x1c: {  	[tilespmem:s7], [sflag:$0x1] =	stream.indirect.gather [hbm4b:s2+s6], $0x1, s8, s6, $0xb8;
	[tilespmem:$0x180] =	vst v63  }
0x1d: {  	_ =	swait.ge [sflag:s5], $0x40  }
0x1e: {  	s9 =	sadd.s32 s30, s9;
	s10 =	simm.s32 $0x2;
	[sflag:s5] =	ssyncset.done $0x0  }
0x1f: {  	s9 =	sadd.s32 $0x1400, s9;
	s11 =	sadd.s32 $0xFFFFFFFF, s11;
	[sflag:s5] =	ssyncadd.s32 $0xFFFFFFC0  }
.LBB2_1:
0x20: {  	[hbm4b:s9+s4] =	stream.linear.scatter [tilespmem:s7], [sflag:$0x2], $0x40, $0x38;
	[tilespmem:$0x180] =	vst v63  }
0x21: {  	p0 =	sne.s32 s11, $0x1;
	s11 =	sadd.s32 $0xFFFFFFFF, s11;
	_ =	swait.ge [sflag:s10], $0x40  }
0x22: {  	[sflag:s10] =	ssyncset.done $0x0  }
0x23: {  	[sflag:s10] =	ssyncadd.s32 $0xFFFFFFC0  }
0x24: {  	[tilespmem:s4], [sflag:$0x1] =	stream.indirect_vreg.gather [hbm4b:s3+s4], $0x1, v0, vm0, $0xb8;
	[tilespmem:$0x180] =	vst v63  }
0x25: {  	_ =	swait.ge [sflag:s5], $0x10  }
0x26: {  	[sflag:s5] =	ssyncset.done $0x0  }
0x27: {  	[sflag:s5] =	ssyncadd.s32 $0xFFFFFFF0  }
0x28: {  	v5 =	vld [tilespmem:$0x0];
	_ =	sdelay $0x4  }
0x29: {  	v6 =	vadd.s32 v1, v5;
	v7 =	vadd.s32 v4, v5;
	v8 =	vadd.s32 v2, v5  }
0x2a: {  	v5 =	vadd.s32 v3, v5;
	[tilespmem:$0x80] =	vst v6  }
0x2b: {  	[tilespmem:$0xA0] =	vst v8  }
0x2c: {  	[tilespmem:$0xB0] =	vst v5  }
.Ltmp1:
0x2d: {  	[tilespmem:$0x90] =	vst v7;
	(pc) =	sbr.rel @p0 .LBB2_1-.Ltmp1, $4  }
0x2e: {  	[tilespmem:s7], [sflag:$0x1] =	stream.indirect.gather [hbm4b:s2+s6], $0x1, s8, s6, $0xb8;
	[tilespmem:$0x180] =	vst v63  }
0x2f: {  	_ =	swait.ge [sflag:s5], $0x40  }
0x30: {  	[sflag:s5] =	ssyncset.done $0x0  }
0x31: {  	[sflag:s5] =	ssyncadd.s32 $0xFFFFFFC0  }
.LBB2_2:
0x32: {  	[hbm4b:s9+s4] =	stream.linear.scatter [tilespmem:s7], [sflag:$0x2], $0x40, $0x38;
	[tilespmem:$0x180] =	vst v63  }
0x33: {  	_ =	swait.ge [sflag:s10], $0x40  }
0x34: {  	[sflag:s10] =	ssyncset.done $0x0  }
0x35: {  	[sflag:s10] =	ssyncadd.s32 $0xFFFFFFC0  }
0x36: {  	_ =	sfence.sel $0x180000  }
0x37: {  	[bflag:$0x0] =	sbarrier.arrive $0xFFFF  }
0x38: {  	p0 =	sne.s32 s0, $0x0;
	_ =	strace $0x90000047  }
0x39: {  	s0 =	sadd.s32 @!p0 $0x100000, s1;
	[bflag:$0x2] =	sbarrier.arrive $0xFFFF  }
0x3a: {  	[sflag:s0] =	ssyncadd.tile.s32 @!p0 $0x1;
	_ =	shalt  }
.Lfunc_end2:
_tile_overlayer_lowered:
.L_overlay_start_2:
0x3b: {  	(tag) =	ssettag $0x2  }
0x3c: {  	s0 =	rddreg [dreg:$0x0];
	s2 =	stileid.u32  }
0x3d: {  	s1 =	rddreg [dreg:$0x1];
	p0 =	sne.s32 s2, $0x0  }
0x3e: {  	s3 =	rddreg [dreg:$0x2];
	[bflag:$0x3] =	sbarrier.arrive $0xFFFF;
	s2 =	simm.s32 @!p0 $0x1C02  }
0x3f: {  	[timem:s3], [sflag:s2] =	dma.local @!p0 [hbm:s0], s1  }
0x40: {  	s0 =	simm.s32 @!p0 $0x2  }
0x41: {  	_ =	swait.ge @!p0 [sflag:s0], s1  }
0x42: {  	s1 =	ssub.s32 @!p0 $0x0, s1;
	[sflag:s0] =	ssyncset.done @!p0 $0x0  }
0x43: {  	[sflag:s0] =	ssyncadd.s32 @!p0 s1  }
0x44: {  	[bflag:$0x3] =	sbarrier.arrive $0xFFFF  }
0x45: {  	_ =	shalt  }

</sc_bundles>
